<compile_context>
chip_gen: v7x
topology: tpu7x:2x2x1
jax: 0.10.2.dev20260603
libtpu: 0.0.44.dev20260713+nightly
codegen_flags: <defaults>
</compile_context>

<pallas_src>
import functools

import jax
import jax.numpy as jnp
from jax import lax
from jax.experimental import pallas as pl
from jax.experimental.pallas import tpu as pltpu
from jax.experimental.pallas import tpu_sc as plsc

N_GENDER = 2
N_AGE = 7
N_OCC = 21
N_ROWS = N_GENDER + N_AGE + N_OCC
DIM = 64
BATCH = 16384
ROWS = BATCH * 3
CHUNK = 128
LANES = 16

_info = plsc.get_sparse_core_info()
_NC, _NS = _info.num_cores, _info.num_subcores
NW = _NC * _NS
PER_W = ROWS // NW
NCHUNK = PER_W // CHUNK
HALF = NCHUNK // 2


@functools.partial(
    pl.kernel,
    out_type=jax.ShapeDtypeStruct((ROWS, DIM), jnp.float32),
    mesh=plsc.VectorSubcoreMesh(core_axis_name="c", subcore_axis_name="s"),
    scratch_types=[
        pltpu.VMEM((NCHUNK, CHUNK), jnp.int32),
        pltpu.VMEM((N_ROWS, DIM), jnp.float32),
        pltpu.VMEM((PER_W, DIM), jnp.float32),
        pltpu.HBM((NW * N_ROWS, DIM), jnp.float32),
        pltpu.SemaphoreType.DMA,
        pltpu.SemaphoreType.DMA,
        pltpu.SemaphoreType.DMA,
    ],
    compiler_params=pltpu.CompilerParams(use_tc_tiling_on_sc=False),
)
def _embed(x1_hbm, table_hbm, out_hbm, idx_v, table_v, rows_v, trep_hbm,
           sem_a, sem_b, sem_o):
    wid = lax.axis_index("s") * _NC + lax.axis_index("c")
    base = wid * PER_W
    rowbase = wid * N_ROWS

    pltpu.sync_copy(x1_hbm.at[wid], idx_v)
    pltpu.sync_copy(table_hbm, table_v)
    pltpu.sync_copy(table_v, trep_hbm.at[pl.ds(rowbase, N_ROWS)])

    lane = lax.iota(jnp.int32, LANES)
    pats = []
    for m in range(3):
        r = lax.rem(lane + m, 3)
        pats.append(
            jnp.where(r == 0, 0, jnp.where(r == 1, N_GENDER, N_GENDER + N_AGE))
            + rowbase)
    for j in range(NCHUNK):
        for k in range(CHUNK // LANES):
            p = j * CHUNK + k * LANES
            idx_v[j, pl.ds(k * LANES, LANES)] = (
                idx_v[j, pl.ds(k * LANES, LANES)] + pats[p % 3])

    gathers = [
        pltpu.async_copy(
            trep_hbm.at[idx_v.at[j]],
            rows_v.at[pl.ds(j * CHUNK, CHUNK)],
            sem_a if j < HALF else sem_b,
        )
        for j in range(NCHUNK)
    ]
    for j in range(HALF):
        gathers[j].wait()
    out_a = pltpu.async_copy(
        rows_v.at[pl.ds(0, HALF * CHUNK)],
        out_hbm.at[pl.ds(base, HALF * CHUNK)],
        sem_o,
    )
    for j in range(HALF, NCHUNK):
        gathers[j].wait()
    out_b = pltpu.async_copy(
        rows_v.at[pl.ds(HALF * CHUNK, PER_W - HALF * CHUNK)],
        out_hbm.at[pl.ds(base + HALF * CHUNK, PER_W - HALF * CHUNK)],
        sem_o,
    )
    out_a.wait()
    out_b.wait()


def kernel(x1, W_gender, W_age, W_occupation):
    x1r = x1.reshape(NW, NCHUNK, CHUNK)
    table = jnp.concatenate([W_gender, W_age, W_occupation], axis=0)
    out = _embed(x1r, table)
    return out.reshape(BATCH, 3 * DIM)

# --- scband reference (transcript-rebuilt; emitter-appended) ---
"""Pipeline reference for scband-user-loading-7052336300311 (READ-ONLY COPY).

The authoritative reference and input builder live on the scoring server;
editing this copy changes nothing except your own understanding.
"""

import jax, jax.numpy as jnp
import numpy as np

N_GENDER = 2
N_AGE = 7
N_OCCUPATION = 21
EMBEDDING_DIM = 64
BATCH = 16384


def setup_inputs(seed: int = 0) -> dict:
    key = jax.random.key(seed)
    k1, k2, k3, k4, k5, k6 = jax.random.split(key, 6)
    gender_idx = jax.random.randint(k1, (BATCH,), 0, N_GENDER, dtype=jnp.int32)
    age_idx = jax.random.randint(k2, (BATCH,), 0, N_AGE, dtype=jnp.int32)
    occupation_idx = jax.random.randint(k3, (BATCH,), 0, N_OCCUPATION, dtype=jnp.int32)
    x1 = jnp.stack([gender_idx, age_idx, occupation_idx], axis=1)
    W_gender = jax.random.normal(k4, (N_GENDER, EMBEDDING_DIM), dtype=jnp.float32)
    W_age = jax.random.normal(k5, (N_AGE, EMBEDDING_DIM), dtype=jnp.float32)
    W_occupation = jax.random.normal(k6, (N_OCCUPATION, EMBEDDING_DIM), dtype=jnp.float32)
    return {"x1": x1, "W_gender": W_gender, "W_age": W_age, "W_occupation": W_occupation}


def reference(x1, W_gender, W_age, W_occupation):
    gender_idx = x1[:, 0]
    age_idx = x1[:, 1]
    occupation_idx = x1[:, 2]
    gender_emb = jnp.take(W_gender, gender_idx, axis=0)
    age_emb = jnp.take(W_age, age_idx, axis=0)
    occupation_emb = jnp.take(W_occupation, occupation_idx, axis=0)
    concat_emb = jnp.concatenate((gender_emb, age_emb, occupation_emb), axis=1)
    return concat_emb

if __name__ == "__main__":
    import jax
    _d = setup_inputs()
    print(jax.jit(kernel)(*tuple(_d.values())))

</pallas_src>

<mosaic_0001>
#map = affine_map<(d0, d1) -> (0, 0, 0)>
#map1 = affine_map<(d0, d1) -> (0, 0)>
module attributes {stable_mosaic.version = 14 : i64} {
  func.func @_embed(%arg0: i32, %arg1: i32, %arg2: memref<32x12x128xi32, #tpu.memory_space<hbm>>, %arg3: memref<30x64xf32, #tpu.memory_space<hbm>>, %arg4: memref<49152x64xf32, #tpu.memory_space<hbm>>, %arg5: memref<12x128xi32, #tpu.memory_space<vmem>>, %arg6: memref<30x64xf32, #tpu.memory_space<vmem>>, %arg7: memref<1536x64xf32, #tpu.memory_space<vmem>>, %arg8: memref<960x64xf32, #tpu.memory_space<hbm>>, %arg9: memref<!tpu.dma_semaphore, #tpu.memory_space<semaphore_mem>>, %arg10: memref<!tpu.dma_semaphore, #tpu.memory_space<semaphore_mem>>, %arg11: memref<!tpu.dma_semaphore, #tpu.memory_space<semaphore_mem>>) attributes {dimension_semantics = [#tpu.dimension_semantics<core_parallel>, #tpu.dimension_semantics<subcore_parallel>], iteration_bounds = array<i64: 2, 16>, scalar_prefetch = 0 : i64, scratch_operands = 7 : i64, tpu.core_type = #tpu.core_type<sc_vector_subcore>, window_params = [{transform_indices = #map}, {transform_indices = #map1}, {transform_indices = #map1}]} {
    %mul3A = arith.constant 2 : i32
    %mul3A_0 = arith.muli %arg1, %mul3A : i32
    %add3A = arith.addi %mul3A_0, %arg0 : i32
    %mul3A_1 = arith.constant 1536 : i32
    %mul3A_2 = arith.muli %add3A, %mul3A_1 : i32
    %mul3A_3 = arith.constant 30 : i32
    %mul3A_4 = arith.muli %add3A, %mul3A_3 : i32
    "tpu.region"() ({
      %run_scoped3A = tpu.sem_alloc : memref<!tpu.dma_semaphore, #tpu.memory_space<semaphore_mem>>
      %dma_start3A_1496 = arith.constant 0 : i32
      %dma_start3A_1497 = arith.constant 0 : i32
      %dma_start3A_1498 = tpu.memref_slice %arg2[%add3A, %dma_start3A_1496, %dma_start3A_1497] : memref<32x12x128xi32, #tpu.memory_space<hbm>> -> memref<1x12x128xi32, #tpu.memory_space<hbm>>
      %dma_start3A_1499 = tpu.memref_squeeze %dma_start3A_1498 : memref<1x12x128xi32, #tpu.memory_space<hbm>> -> memref<12x128xi32, #tpu.memory_space<hbm>>
      %dma_start3A_1500 = arith.constant 0 : i32
      %dma_start3A_1501 = arith.constant 0 : i32
      %dma_start3A_1502 = tpu.memref_slice %arg2[%add3A, %dma_start3A_1500, %dma_start3A_1501] : memref<32x12x128xi32, #tpu.memory_space<hbm>> -> memref<1x12x128xi32, #tpu.memory_space<hbm>>
      %dma_start3A_1503 = tpu.memref_squeeze %dma_start3A_1502 : memref<1x12x128xi32, #tpu.memory_space<hbm>> -> memref<12x128xi32, #tpu.memory_space<hbm>>
      tpu.enqueue_dma source(%dma_start3A_1503 : memref<12x128xi32, #tpu.memory_space<hbm>>) target(%arg5 : memref<12x128xi32, #tpu.memory_space<vmem>>) target_semaphore(%run_scoped3A : memref<!tpu.dma_semaphore, #tpu.memory_space<semaphore_mem>>)
      %dma_wait3A_1504 = arith.constant 0 : i32
      %dma_wait3A_1505 = arith.constant 0 : i32
      %dma_wait3A_1506 = tpu.memref_slice %arg2[%add3A, %dma_wait3A_1504, %dma_wait3A_1505] : memref<32x12x128xi32, #tpu.memory_space<hbm>> -> memref<1x12x128xi32, #tpu.memory_space<hbm>>
      %dma_wait3A_1507 = tpu.memref_squeeze %dma_wait3A_1506 : memref<1x12x128xi32, #tpu.memory_space<hbm>> -> memref<12x128xi32, #tpu.memory_space<hbm>>
      %dma_wait3A_1508 = arith.constant 0 : i32
      %dma_wait3A_1509 = arith.constant 0 : i32
      %dma_wait3A_1510 = tpu.memref_slice %arg2[%add3A, %dma_wait3A_1508, %dma_wait3A_1509] : memref<32x12x128xi32, #tpu.memory_space<hbm>> -> memref<1x12x128xi32, #tpu.memory_space<hbm>>
      %dma_wait3A_1511 = tpu.memref_squeeze %dma_wait3A_1510 : memref<1x12x128xi32, #tpu.memory_space<hbm>> -> memref<12x128xi32, #tpu.memory_space<hbm>>
      tpu.wait_dma2 semaphore(%run_scoped3A : memref<!tpu.dma_semaphore, #tpu.memory_space<semaphore_mem>>) src(%dma_wait3A_1511 : memref<12x128xi32, #tpu.memory_space<hbm>>) dst(%arg5 : memref<12x128xi32, #tpu.memory_space<vmem>>)
      tpu.yield
    }) : () -> ()
    "tpu.region"() ({
      %run_scoped3A = tpu.sem_alloc : memref<!tpu.dma_semaphore, #tpu.memory_space<semaphore_mem>>
      tpu.enqueue_dma source(%arg3 : memref<30x64xf32, #tpu.memory_space<hbm>>) target(%arg6 : memref<30x64xf32, #tpu.memory_space<vmem>>) target_semaphore(%run_scoped3A : memref<!tpu.dma_semaphore, #tpu.memory_space<semaphore_mem>>)
      tpu.wait_dma2 semaphore(%run_scoped3A : memref<!tpu.dma_semaphore, #tpu.memory_space<semaphore_mem>>) src(%arg3 : memref<30x64xf32, #tpu.memory_space<hbm>>) dst(%arg6 : memref<30x64xf32, #tpu.memory_space<vmem>>)
      tpu.yield
    }) : () -> ()
    "tpu.region"() ({
      %run_scoped3A = tpu.sem_alloc : memref<!tpu.dma_semaphore, #tpu.memory_space<semaphore_mem>>
      %dma_start3A_1496 = arith.constant 0 : i32
      %dma_start3A_1497 = tpu.memref_slice %arg8[%mul3A_4, %dma_start3A_1496] : memref<960x64xf32, #tpu.memory_space<hbm>> -> memref<30x64xf32, #tpu.memory_space<hbm>>
      %dma_start3A_1498 = arith.constant 0 : i32
      %dma_start3A_1499 = tpu.memref_slice %arg8[%mul3A_4, %dma_start3A_1498] : memref<960x64xf32, #tpu.memory_space<hbm>> -> memref<30x64xf32, #tpu.memory_space<hbm>>
      tpu.enqueue_dma source(%arg6 : memref<30x64xf32, #tpu.memory_space<vmem>>) target(%dma_start3A_1499 : memref<30x64xf32, #tpu.memory_space<hbm>>) target_semaphore(%run_scoped3A : memref<!tpu.dma_semaphore, #tpu.memory_space<semaphore_mem>>)
      %dma_wait3A_1500 = arith.constant 0 : i32
      %dma_wait3A_1501 = tpu.memref_slice %arg8[%mul3A_4, %dma_wait3A_1500] : memref<960x64xf32, #tpu.memory_space<hbm>> -> memref<30x64xf32, #tpu.memory_space<hbm>>
      %dma_wait3A_1502 = arith.constant 0 : i32
      %dma_wait3A_1503 = tpu.memref_slice %arg8[%mul3A_4, %dma_wait3A_1502] : memref<960x64xf32, #tpu.memory_space<hbm>> -> memref<30x64xf32, #tpu.memory_space<hbm>>
      tpu.wait_dma2 semaphore(%run_scoped3A : memref<!tpu.dma_semaphore, #tpu.memory_space<semaphore_mem>>) src(%arg6 : memref<30x64xf32, #tpu.memory_space<vmem>>) dst(%dma_wait3A_1503 : memref<30x64xf32, #tpu.memory_space<hbm>>)
      tpu.yield
    }) : () -> ()
    %iota3A = tpu.iota {dimensions = array<i32: 0>} : vector<16xi32>
    %add3A_5 = arith.constant 0 : i32
    %add3A_6 = vector.broadcast %add3A_5 : i32 to vector<16xi32>
    %add3A_7 = arith.addi %iota3A, %add3A_6 : vector<16xi32>
    %rem3A = arith.constant 3 : i32
    %rem3A_8 = vector.broadcast %rem3A : i32 to vector<16xi32>
    %rem3A_9 = arith.remsi %add3A_7, %rem3A_8 : vector<16xi32>
    %eq3A = arith.constant 0 : i32
    %eq3A_10 = vector.broadcast %eq3A : i32 to vector<16xi32>
    %eq3A_11 = arith.cmpi eq, %rem3A_9, %eq3A_10 : vector<16xi32>
    %eq3A_12 = arith.constant 1 : i32
    %eq3A_13 = vector.broadcast %eq3A_12 : i32 to vector<16xi32>
    %eq3A_14 = arith.cmpi eq, %rem3A_9, %eq3A_13 : vector<16xi32>
    %jit3A = arith.constant 2 : i32
    %jit3A_15 = arith.constant 9 : i32
    %broadcast_in_dim3A = vector.broadcast %jit3A : i32 to vector<16xi32>
    %broadcast_in_dim3A_16 = vector.broadcast %jit3A_15 : i32 to vector<16xi32>
    %select_n3A = arith.select %eq3A_14, %broadcast_in_dim3A, %broadcast_in_dim3A_16 : vector<16xi1>, vector<16xi32>
    %jit3A_17 = arith.constant 0 : i32
    %broadcast_in_dim3A_18 = vector.broadcast %jit3A_17 : i32 to vector<16xi32>
    %select_n3A_19 = arith.select %eq3A_11, %broadcast_in_dim3A_18, %select_n3A : vector<16xi1>, vector<16xi32>
    %add3A_20 = vector.broadcast %mul3A_4 : i32 to vector<16xi32>
    %add3A_21 = arith.addi %select_n3A_19, %add3A_20 : vector<16xi32>
    %add3A_22 = arith.constant 1 : i32
    %add3A_23 = vector.broadcast %add3A_22 : i32 to vector<16xi32>
    %add3A_24 = arith.addi %iota3A, %add3A_23 : vector<16xi32>
    %rem3A_25 = arith.constant 3 : i32
    %rem3A_26 = vector.broadcast %rem3A_25 : i32 to vector<16xi32>
    %rem3A_27 = arith.remsi %add3A_24, %rem3A_26 : vector<16xi32>
    %eq3A_28 = arith.constant 0 : i32
    %eq3A_29 = vector.broadcast %eq3A_28 : i32 to vector<16xi32>
    %eq3A_30 = arith.cmpi eq, %rem3A_27, %eq3A_29 : vector<16xi32>
    %eq3A_31 = arith.constant 1 : i32
    %eq3A_32 = vector.broadcast %eq3A_31 : i32 to vector<16xi32>
    %eq3A_33 = arith.cmpi eq, %rem3A_27, %eq3A_32 : vector<16xi32>
    %jit3A_34 = arith.constant 2 : i32
    %jit3A_35 = arith.constant 9 : i32
    %broadcast_in_dim3A_36 = vector.broadcast %jit3A_34 : i32 to vector<16xi32>
    %broadcast_in_dim3A_37 = vector.broadcast %jit3A_35 : i32 to vector<16xi32>
    %select_n3A_38 = arith.select %eq3A_33, %broadcast_in_dim3A_36, %broadcast_in_dim3A_37 : vector<16xi1>, vector<16xi32>
    %jit3A_39 = arith.constant 0 : i32
    %broadcast_in_dim3A_40 = vector.broadcast %jit3A_39 : i32 to vector<16xi32>
    %select_n3A_41 = arith.select %eq3A_30, %broadcast_in_dim3A_40, %select_n3A_38 : vector<16xi1>, vector<16xi32>
    %add3A_42 = vector.broadcast %mul3A_4 : i32 to vector<16xi32>
    %add3A_43 = arith.addi %select_n3A_41, %add3A_42 : vector<16xi32>
    %add3A_44 = arith.constant 2 : i32
    %add3A_45 = vector.broadcast %add3A_44 : i32 to vector<16xi32>
    %add3A_46 = arith.addi %iota3A, %add3A_45 : vector<16xi32>
    %rem3A_47 = arith.constant 3 : i32
    %rem3A_48 = vector.broadcast %rem3A_47 : i32 to vector<16xi32>
    %rem3A_49 = arith.remsi %add3A_46, %rem3A_48 : vector<16xi32>
    %eq3A_50 = arith.constant 0 : i32
    %eq3A_51 = vector.broadcast %eq3A_50 : i32 to vector<16xi32>
    %eq3A_52 = arith.cmpi eq, %rem3A_49, %eq3A_51 : vector<16xi32>
    %eq3A_53 = arith.constant 1 : i32
    %eq3A_54 = vector.broadcast %eq3A_53 : i32 to vector<16xi32>
    %eq3A_55 = arith.cmpi eq, %rem3A_49, %eq3A_54 : vector<16xi32>
    %jit3A_56 = arith.constant 2 : i32
    %jit3A_57 = arith.constant 9 : i32
    %broadcast_in_dim3A_58 = vector.broadcast %jit3A_56 : i32 to vector<16xi32>
    %broadcast_in_dim3A_59 = vector.broadcast %jit3A_57 : i32 to vector<16xi32>
    %select_n3A_60 = arith.select %eq3A_55, %broadcast_in_dim3A_58, %broadcast_in_dim3A_59 : vector<16xi1>, vector<16xi32>
    %jit3A_61 = arith.constant 0 : i32
    %broadcast_in_dim3A_62 = vector.broadcast %jit3A_61 : i32 to vector<16xi32>
    %select_n3A_63 = arith.select %eq3A_52, %broadcast_in_dim3A_62, %select_n3A_60 : vector<16xi1>, vector<16xi32>
    %add3A_64 = vector.broadcast %mul3A_4 : i32 to vector<16xi32>
    %add3A_65 = arith.addi %select_n3A_63, %add3A_64 : vector<16xi32>
    %get3A = arith.constant 0 : i32
    %get3A_66 = arith.index_cast %get3A : i32 to index
    %get3A_67 = arith.constant 0 : index
    %get3A_68 = tpu.vector_load %arg5[%get3A_66, %get3A_67] {strides = array<i32>} : memref<12x128xi32, #tpu.memory_space<vmem>>, vector<1x16xi32>,
    %get3A_69 = vector.shape_cast %get3A_68 : vector<1x16xi32> to vector<16xi32>
    %add3A_70 = arith.addi %get3A_69, %add3A_21 : vector<16xi32>
    %swap3A = arith.constant 0 : i32
    %swap3A_71 = arith.index_cast %swap3A : i32 to index
    %swap3A_72 = arith.constant 0 : index
    %swap3A_73 = tpu.vector_load %arg5[%swap3A_71, %swap3A_72] {strides = array<i32>} : memref<12x128xi32, #tpu.memory_space<vmem>>, vector<1x16xi32>,
    %swap3A_74 = vector.shape_cast %swap3A_73 : vector<1x16xi32> to vector<16xi32>
    %swap3A_75 = vector.shape_cast %add3A_70 : vector<16xi32> to vector<1x16xi32>
    tpu.vector_store %arg5[%swap3A_71, %swap3A_72], %swap3A_75 {strides = array<i32>} : memref<12x128xi32, #tpu.memory_space<vmem>>, vector<1x16xi32>,
    %get3A_76 = arith.constant 0 : i32
    %get3A_77 = arith.index_cast %get3A_76 : i32 to index
    %get3A_78 = arith.constant 16 : index
    %get3A_79 = tpu.vector_load %arg5[%get3A_77, %get3A_78] {strides = array<i32>} : memref<12x128xi32, #tpu.memory_space<vmem>>, vector<1x16xi32>,
    %get3A_80 = vector.shape_cast %get3A_79 : vector<1x16xi32> to vector<16xi32>
    %add3A_81 = arith.addi %get3A_80, %add3A_43 : vector<16xi32>
    %swap3A_82 = arith.constant 0 : i32
    %swap3A_83 = arith.index_cast %swap3A_82 : i32 to index
    %swap3A_84 = arith.constant 16 : index
    %swap3A_85 = tpu.vector_load %arg5[%swap3A_83, %swap3A_84] {strides = array<i32>} : memref<12x128xi32, #tpu.memory_space<vmem>>, vector<1x16xi32>,
    %swap3A_86 = vector.shape_cast %swap3A_85 : vector<1x16xi32> to vector<16xi32>
    %swap3A_87 = vector.shape_cast %add3A_81 : vector<16xi32> to vector<1x16xi32>
    tpu.vector_store %arg5[%swap3A_83, %swap3A_84], %swap3A_87 {strides = array<i32>} : memref<12x128xi32, #tpu.memory_space<vmem>>, vector<1x16xi32>,
    %get3A_88 = arith.constant 0 : i32
    %get3A_89 = arith.index_cast %get3A_88 : i32 to index
    %get3A_90 = arith.constant 32 : index
    %get3A_91 = tpu.vector_load %arg5[%get3A_89, %get3A_90] {strides = array<i32>} : memref<12x128xi32, #tpu.memory_space<vmem>>, vector<1x16xi32>,
    %get3A_92 = vector.shape_cast %get3A_91 : vector<1x16xi32> to vector<16xi32>
    %add3A_93 = arith.addi %get3A_92, %add3A_65 : vector<16xi32>
    %swap3A_94 = arith.constant 0 : i32
    %swap3A_95 = arith.index_cast %swap3A_94 : i32 to index
    %swap3A_96 = arith.constant 32 : index
    %swap3A_97 = tpu.vector_load %arg5[%swap3A_95, %swap3A_96] {strides = array<i32>} : memref<12x128xi32, #tpu.memory_space<vmem>>, vector<1x16xi32>,
    %swap3A_98 = vector.shape_cast %swap3A_97 : vector<1x16xi32> to vector<16xi32>
    %swap3A_99 = vector.shape_cast %add3A_93 : vector<16xi32> to vector<1x16xi32>
    tpu.vector_store %arg5[%swap3A_95, %swap3A_96], %swap3A_99 {strides = array<i32>} : memref<12x128xi32, #tpu.memory_space<vmem>>, vector<1x16xi32>,
    %get3A_100 = arith.constant 0 : i32
    %get3A_101 = arith.index_cast %get3A_100 : i32 to index
    %get3A_102 = arith.constant 48 : index
    %get3A_103 = tpu.vector_load %arg5[%get3A_101, %get3A_102] {strides = array<i32>} : memref<12x128xi32, #tpu.memory_space<vmem>>, vector<1x16xi32>,
    %get3A_104 = vector.shape_cast %get3A_103 : vector<1x16xi32> to vector<16xi32>
    %add3A_105 = arith.addi %get3A_104, %add3A_21 : vector<16xi32>
    %swap3A_106 = arith.constant 0 : i32
    %swap3A_107 = arith.index_cast %swap3A_106 : i32 to index
    %swap3A_108 = arith.constant 48 : index
    %swap3A_109 = tpu.vector_load %arg5[%swap3A_107, %swap3A_108] {strides = array<i32>} : memref<12x128xi32, #tpu.memory_space<vmem>>, vector<1x16xi32>,
    %swap3A_110 = vector.shape_cast %swap3A_109 : vector<1x16xi32> to vector<16xi32>
    %swap3A_111 = vector.shape_cast %add3A_105 : vector<16xi32> to vector<1x16xi32>
    tpu.vector_store %arg5[%swap3A_107, %swap3A_108], %swap3A_111 {strides = array<i32>} : memref<12x128xi32, #tpu.memory_space<vmem>>, vector<1x16xi32>,
    %get3A_112 = arith.constant 0 : i32
    %get3A_113 = arith.index_cast %get3A_112 : i32 to index
    %get3A_114 = arith.constant 64 : index
    %get3A_115 = tpu.vector_load %arg5[%get3A_113, %get3A_114] {strides = array<i32>} : memref<12x128xi32, #tpu.memory_space<vmem>>, vector<1x16xi32>,
    %get3A_116 = vector.shape_cast %get3A_115 : vector<1x16xi32> to vector<16xi32>
    %add3A_117 = arith.addi %get3A_116, %add3A_43 : vector<16xi32>
    %swap3A_118 = arith.constant 0 : i32
    %swap3A_119 = arith.index_cast %swap3A_118 : i32 to index
    %swap3A_120 = arith.constant 64 : index
    %swap3A_121 = tpu.vector_load %arg5[%swap3A_119, %swap3A_120] {strides = array<i32>} : memref<12x128xi32, #tpu.memory_space<vmem>>, vector<1x16xi32>,
    %swap3A_122 = vector.shape_cast %swap3A_121 : vector<1x16xi32> to vector<16xi32>
    %swap3A_123 = vector.shape_cast %add3A_117 : vector<16xi32> to vector<1x16xi32>
    tpu.vector_store %arg5[%swap3A_119, %swap3A_120], %swap3A_123 {strides = array<i32>} : memref<12x128xi32, #tpu.memory_space<vmem>>, vector<1x16xi32>,
    %get3A_124 = arith.constant 0 : i32
    %get3A_125 = arith.index_cast %get3A_124 : i32 to index
    %get3A_126 = arith.constant 80 : index
    %get3A_127 = tpu.vector_load %arg5[%get3A_125, %get3A_126] {strides = array<i32>} : memref<12x128xi32, #tpu.memory_space<vmem>>, vector<1x16xi32>,
    %get3A_128 = vector.shape_cast %get3A_127 : vector<1x16xi32> to vector<16xi32>
    %add3A_129 = arith.addi %get3A_128, %add3A_65 : vector<16xi32>
    %swap3A_130 = arith.constant 0 : i32
    %swap3A_131 = arith.index_cast %swap3A_130 : i32 to index
    %swap3A_132 = arith.constant 80 : index
    %swap3A_133 = tpu.vector_load %arg5[%swap3A_131, %swap3A_132] {strides = array<i32>} : memref<12x128xi32, #tpu.memory_space<vmem>>, vector<1x16xi32>,
    %swap3A_134 = vector.shape_cast %swap3A_133 : vector<1x16xi32> to vector<16xi32>
    %swap3A_135 = vector.shape_cast %add3A_129 : vector<16xi32> to vector<1x16xi32>
    tpu.vector_store %arg5[%swap3A_131, %swap3A_132], %swap3A_135 {strides = array<i32>} : memref<12x128xi32, #tpu.memory_space<vmem>>, vector<1x16xi32>,
    %get3A_136 = arith.constant 0 : i32
    %get3A_137 = arith.index_cast %get3A_136 : i32 to index
    %get3A_138 = arith.constant 96 : index
    %get3A_139 = tpu.vector_load %arg5[%get3A_137, %get3A_138] {strides = array<i32>} : memref<12x128xi32, #tpu.memory_space<vmem>>, vector<1x16xi32>,
    %get3A_140 = vector.shape_cast %get3A_139 : vector<1x16xi32> to vector<16xi32>
    %add3A_141 = arith.addi %get3A_140, %add3A_21 : vector<16xi32>
    %swap3A_142 = arith.constant 0 : i32
    %swap3A_143 = arith.index_cast %swap3A_142 : i32 to index
    %swap3A_144 = arith.constant 96 : index
    %swap3A_145 = tpu.vector_load %arg5[%swap3A_143, %swap3A_144] {strides = array<i32>} : memref<12x128xi32, #tpu.memory_space<vmem>>, vector<1x16xi32>,
    %swap3A_146 = vector.shape_cast %swap3A_145 : vector<1x16xi32> to vector<16xi32>
    %swap3A_147 = vector.shape_cast %add3A_141 : vector<16xi32> to vector<1x16xi32>
    tpu.vector_store %arg5[%swap3A_143, %swap3A_144], %swap3A_147 {strides = array<i32>} : memref<12x128xi32, #tpu.memory_space<vmem>>, vector<1x16xi32>,
    %get3A_148 = arith.constant 0 : i32
    %get3A_149 = arith.index_cast %get3A_148 : i32 to index
    %get3A_150 = arith.constant 112 : index
    %get3A_151 = tpu.vector_load %arg5[%get3A_149, %get3A_150] {strides = array<i32>} : memref<12x128xi32, #tpu.memory_space<vmem>>, vector<1x16xi32>,
    %get3A_152 = vector.shape_cast %get3A_151 : vector<1x16xi32> to vector<16xi32>
    %add3A_153 = arith.addi %get3A_152, %add3A_43 : vector<16xi32>
    %swap3A_154 = arith.constant 0 : i32
    %swap3A_155 = arith.index_cast %swap3A_154 : i32 to index
    %swap3A_156 = arith.constant 112 : index
    %swap3A_157 = tpu.vector_load %arg5[%swap3A_155, %swap3A_156] {strides = array<i32>} : memref<12x128xi32, #tpu.memory_space<vmem>>, vector<1x16xi32>,
    %swap3A_158 = vector.shape_cast %swap3A_157 : vector<1x16xi32> to vector<16xi32>
    %swap3A_159 = vector.shape_cast %add3A_153 : vector<16xi32> to vector<1x16xi32>
    tpu.vector_store %arg5[%swap3A_155, %swap3A_156], %swap3A_159 {strides = array<i32>} : memref<12x128xi32, #tpu.memory_space<vmem>>, vector<1x16xi32>,
    %get3A_160 = arith.constant 1 : i32
    %get3A_161 = arith.index_cast %get3A_160 : i32 to index
    %get3A_162 = arith.constant 0 : index
    %get3A_163 = tpu.vector_load %arg5[%get3A_161, %get3A_162] {strides = array<i32>} : memref<12x128xi32, #tpu.memory_space<vmem>>, vector<1x16xi32>,
    %get3A_164 = vector.shape_cast %get3A_163 : vector<1x16xi32> to vector<16xi32>
    %add3A_165 = arith.addi %get3A_164, %add3A_65 : vector<16xi32>
    %swap3A_166 = arith.constant 1 : i32
    %swap3A_167 = arith.index_cast %swap3A_166 : i32 to index
    %swap3A_168 = arith.constant 0 : index
    %swap3A_169 = tpu.vector_load %arg5[%swap3A_167, %swap3A_168] {strides = array<i32>} : memref<12x128xi32, #tpu.memory_space<vmem>>, vector<1x16xi32>,
    %swap3A_170 = vector.shape_cast %swap3A_169 : vector<1x16xi32> to vector<16xi32>
    %swap3A_171 = vector.shape_cast %add3A_165 : vector<16xi32> to vector<1x16xi32>
    tpu.vector_store %arg5[%swap3A_167, %swap3A_168], %swap3A_171 {strides = array<i32>} : memref<12x128xi32, #tpu.memory_space<vmem>>, vector<1x16xi32>,
    %get3A_172 = arith.constant 1 : i32
    %get3A_173 = arith.index_cast %get3A_172 : i32 to index
    %get3A_174 = arith.constant 16 : index
    %get3A_175 = tpu.vector_load %arg5[%get3A_173, %get3A_174] {strides = array<i32>} : memref<12x128xi32, #tpu.memory_space<vmem>>, vector<1x16xi32>,
    %get3A_176 = vector.shape_cast %get3A_175 : vector<1x16xi32> to vector<16xi32>
    %add3A_177 = arith.addi %get3A_176, %add3A_21 : vector<16xi32>
    %swap3A_178 = arith.constant 1 : i32
    %swap3A_179 = arith.index_cast %swap3A_178 : i32 to index
    %swap3A_180 = arith.constant 16 : index
    %swap3A_181 = tpu.vector_load %arg5[%swap3A_179, %swap3A_180] {strides = array<i32>} : memref<12x128xi32, #tpu.memory_space<vmem>>, vector<1x16xi32>,
    %swap3A_182 = vector.shape_cast %swap3A_181 : vector<1x16xi32> to vector<16xi32>
    %swap3A_183 = vector.shape_cast %add3A_177 : vector<16xi32> to vector<1x16xi32>
    tpu.vector_store %arg5[%swap3A_179, %swap3A_180], %swap3A_183 {strides = array<i32>} : memref<12x128xi32, #tpu.memory_space<vmem>>, vector<1x16xi32>,
    %get3A_184 = arith.constant 1 : i32
    %get3A_185 = arith.index_cast %get3A_184 : i32 to index
    %get3A_186 = arith.constant 32 : index
    %get3A_187 = tpu.vector_load %arg5[%get3A_185, %get3A_186] {strides = array<i32>} : memref<12x128xi32, #tpu.memory_space<vmem>>, vector<1x16xi32>,
    %get3A_188 = vector.shape_cast %get3A_187 : vector<1x16xi32> to vector<16xi32>
    %add3A_189 = arith.addi %get3A_188, %add3A_43 : vector<16xi32>
    %swap3A_190 = arith.constant 1 : i32
    %swap3A_191 = arith.index_cast %swap3A_190 : i32 to index
    %swap3A_192 = arith.constant 32 : index
    %swap3A_193 = tpu.vector_load %arg5[%swap3A_191, %swap3A_192] {strides = array<i32>} : memref<12x128xi32, #tpu.memory_space<vmem>>, vector<1x16xi32>,
    %swap3A_194 = vector.shape_cast %swap3A_193 : vector<1x16xi32> to vector<16xi32>
    %swap3A_195 = vector.shape_cast %add3A_189 : vector<16xi32> to vector<1x16xi32>
    tpu.vector_store %arg5[%swap3A_191, %swap3A_192], %swap3A_195 {strides = array<i32>} : memref<12x128xi32, #tpu.memory_space<vmem>>, vector<1x16xi32>,
    %get3A_196 = arith.constant 1 : i32
    %get3A_197 = arith.index_cast %get3A_196 : i32 to index
    %get3A_198 = arith.constant 48 : index
    %get3A_199 = tpu.vector_load %arg5[%get3A_197, %get3A_198] {strides = array<i32>} : memref<12x128xi32, #tpu.memory_space<vmem>>, vector<1x16xi32>,
    %get3A_200 = vector.shape_cast %get3A_199 : vector<1x16xi32> to vector<16xi32>
    %add3A_201 = arith.addi %get3A_200, %add3A_65 : vector<16xi32>
    %swap3A_202 = arith.constant 1 : i32
    %swap3A_203 = arith.index_cast %swap3A_202 : i32 to index
    %swap3A_204 = arith.constant 48 : index
    %swap3A_205 = tpu.vector_load %arg5[%swap3A_203, %swap3A_204] {strides = array<i32>} : memref<12x128xi32, #tpu.memory_space<vmem>>, vector<1x16xi32>,
    %swap3A_206 = vector.shape_cast %swap3A_205 : vector<1x16xi32> to vector<16xi32>
    %swap3A_207 = vector.shape_cast %add3A_201 : vector<16xi32> to vector<1x16xi32>
    tpu.vector_store %arg5[%swap3A_203, %swap3A_204], %swap3A_207 {strides = array<i32>} : memref<12x128xi32, #tpu.memory_space<vmem>>, vector<1x16xi32>,
    %get3A_208 = arith.constant 1 : i32
    %get3A_209 = arith.index_cast %get3A_208 : i32 to index
    %get3A_210 = arith.constant 64 : index
    %get3A_211 = tpu.vector_load %arg5[%get3A_209, %get3A_210] {strides = array<i32>} : memref<12x128xi32, #tpu.memory_space<vmem>>, vector<1x16xi32>,
    %get3A_212 = vector.shape_cast %get3A_211 : vector<1x16xi32> to vector<16xi32>
    %add3A_213 = arith.addi %get3A_212, %add3A_21 : vector<16xi32>
    %swap3A_214 = arith.constant 1 : i32
    %swap3A_215 = arith.index_cast %swap3A_214 : i32 to index
    %swap3A_216 = arith.constant 64 : index
    %swap3A_217 = tpu.vector_load %arg5[%swap3A_215, %swap3A_216] {strides = array<i32>} : memref<12x128xi32, #tpu.memory_space<vmem>>, vector<1x16xi32>,
    %swap3A_218 = vector.shape_cast %swap3A_217 : vector<1x16xi32> to vector<16xi32>
    %swap3A_219 = vector.shape_cast %add3A_213 : vector<16xi32> to vector<1x16xi32>
    tpu.vector_store %arg5[%swap3A_215, %swap3A_216], %swap3A_219 {strides = array<i32>} : memref<12x128xi32, #tpu.memory_space<vmem>>, vector<1x16xi32>,
    %get3A_220 = arith.constant 1 : i32
    %get3A_221 = arith.index_cast %get3A_220 : i32 to index
    %get3A_222 = arith.constant 80 : index
    %get3A_223 = tpu.vector_load %arg5[%get3A_221, %get3A_222] {strides = array<i32>} : memref<12x128xi32, #tpu.memory_space<vmem>>, vector<1x16xi32>,
    %get3A_224 = vector.shape_cast %get3A_223 : vector<1x16xi32> to vector<16xi32>
    %add3A_225 = arith.addi %get3A_224, %add3A_43 : vector<16xi32>
    %swap3A_226 = arith.constant 1 : i32
    %swap3A_227 = arith.index_cast %swap3A_226 : i32 to index
    %swap3A_228 = arith.constant 80 : index
    %swap3A_229 = tpu.vector_load %arg5[%swap3A_227, %swap3A_228] {strides = array<i32>} : memref<12x128xi32, #tpu.memory_space<vmem>>, vector<1x16xi32>,
    %swap3A_230 = vector.shape_cast %swap3A_229 : vector<1x16xi32> to vector<16xi32>
    %swap3A_231 = vector.shape_cast %add3A_225 : vector<16xi32> to vector<1x16xi32>
    tpu.vector_store %arg5[%swap3A_227, %swap3A_228], %swap3A_231 {strides = array<i32>} : memref<12x128xi32, #tpu.memory_space<vmem>>, vector<1x16xi32>,
    %get3A_232 = arith.constant 1 : i32
    %get3A_233 = arith.index_cast %get3A_232 : i32 to index
    %get3A_234 = arith.constant 96 : index
    %get3A_235 = tpu.vector_load %arg5[%get3A_233, %get3A_234] {strides = array<i32>} : memref<12x128xi32, #tpu.memory_space<vmem>>, vector<1x16xi32>,
    %get3A_236 = vector.shape_cast %get3A_235 : vector<1x16xi32> to vector<16xi32>
    %add3A_237 = arith.addi %get3A_236, %add3A_65 : vector<16xi32>
    %swap3A_238 = arith.constant 1 : i32
    %swap3A_239 = arith.index_cast %swap3A_238 : i32 to index
    %swap3A_240 = arith.constant 96 : index
    %swap3A_241 = tpu.vector_load %arg5[%swap3A_239, %swap3A_240] {strides = array<i32>} : memref<12x128xi32, #tpu.memory_space<vmem>>, vector<1x16xi32>,
    %swap3A_242 = vector.shape_cast %swap3A_241 : vector<1x16xi32> to vector<16xi32>
    %swap3A_243 = vector.shape_cast %add3A_237 : vector<16xi32> to vector<1x16xi32>
    tpu.vector_store %arg5[%swap3A_239, %swap3A_240], %swap3A_243 {strides = array<i32>} : memref<12x128xi32, #tpu.memory_space<vmem>>, vector<1x16xi32>,
    %get3A_244 = arith.constant 1 : i32
    %get3A_245 = arith.index_cast %get3A_244 : i32 to index
    %get3A_246 = arith.constant 112 : index
    %get3A_247 = tpu.vector_load %arg5[%get3A_245, %get3A_246] {strides = array<i32>} : memref<12x128xi32, #tpu.memory_space<vmem>>, vector<1x16xi32>,
    %get3A_248 = vector.shape_cast %get3A_247 : vector<1x16xi32> to vector<16xi32>
    %add3A_249 = arith.addi %get3A_248, %add3A_21 : vector<16xi32>
    %swap3A_250 = arith.constant 1 : i32
    %swap3A_251 = arith.index_cast %swap3A_250 : i32 to index
    %swap3A_252 = arith.constant 112 : index
    %swap3A_253 = tpu.vector_load %arg5[%swap3A_251, %swap3A_252] {strides = array<i32>} : memref<12x128xi32, #tpu.memory_space<vmem>>, vector<1x16xi32>,
    %swap3A_254 = vector.shape_cast %swap3A_253 : vector<1x16xi32> to vector<16xi32>
    %swap3A_255 = vector.shape_cast %add3A_249 : vector<16xi32> to vector<1x16xi32>
    tpu.vector_store %arg5[%swap3A_251, %swap3A_252], %swap3A_255 {strides = array<i32>} : memref<12x128xi32, #tpu.memory_space<vmem>>, vector<1x16xi32>,
    %get3A_256 = arith.constant 2 : i32
    %get3A_257 = arith.index_cast %get3A_256 : i32 to index
    %get3A_258 = arith.constant 0 : index
    %get3A_259 = tpu.vector_load %arg5[%get3A_257, %get3A_258] {strides = array<i32>} : memref<12x128xi32, #tpu.memory_space<vmem>>, vector<1x16xi32>,
    %get3A_260 = vector.shape_cast %get3A_259 : vector<1x16xi32> to vector<16xi32>
    %add3A_261 = arith.addi %get3A_260, %add3A_43 : vector<16xi32>
    %swap3A_262 = arith.constant 2 : i32
    %swap3A_263 = arith.index_cast %swap3A_262 : i32 to index
    %swap3A_264 = arith.constant 0 : index
    %swap3A_265 = tpu.vector_load %arg5[%swap3A_263, %swap3A_264] {strides = array<i32>} : memref<12x128xi32, #tpu.memory_space<vmem>>, vector<1x16xi32>,
    %swap3A_266 = vector.shape_cast %swap3A_265 : vector<1x16xi32> to vector<16xi32>
    %swap3A_267 = vector.shape_cast %add3A_261 : vector<16xi32> to vector<1x16xi32>
    tpu.vector_store %arg5[%swap3A_263, %swap3A_264], %swap3A_267 {strides = array<i32>} : memref<12x128xi32, #tpu.memory_space<vmem>>, vector<1x16xi32>,
    %get3A_268 = arith.constant 2 : i32
    %get3A_269 = arith.index_cast %get3A_268 : i32 to index
    %get3A_270 = arith.constant 16 : index
    %get3A_271 = tpu.vector_load %arg5[%get3A_269, %get3A_270] {strides = array<i32>} : memref<12x128xi32, #tpu.memory_space<vmem>>, vector<1x16xi32>,
    %get3A_272 = vector.shape_cast %get3A_271 : vector<1x16xi32> to vector<16xi32>
    %add3A_273 = arith.addi %get3A_272, %add3A_65 : vector<16xi32>
    %swap3A_274 = arith.constant 2 : i32
    %swap3A_275 = arith.index_cast %swap3A_274 : i32 to index
    %swap3A_276 = arith.constant 16 : index
    %swap3A_277 = tpu.vector_load %arg5[%swap3A_275, %swap3A_276] {strides = array<i32>} : memref<12x128xi32, #tpu.memory_space<vmem>>, vector<1x16xi32>,
    %swap3A_278 = vector.shape_cast %swap3A_277 : vector<1x16xi32> to vector<16xi32>
    %swap3A_279 = vector.shape_cast %add3A_273 : vector<16xi32> to vector<1x16xi32>
    tpu.vector_store %arg5[%swap3A_275, %swap3A_276], %swap3A_279 {strides = array<i32>} : memref<12x128xi32, #tpu.memory_space<vmem>>, vector<1x16xi32>,
    %get3A_280 = arith.constant 2 : i32
    %get3A_281 = arith.index_cast %get3A_280 : i32 to index
    %get3A_282 = arith.constant 32 : index
    %get3A_283 = tpu.vector_load %arg5[%get3A_281, %get3A_282] {strides = array<i32>} : memref<12x128xi32, #tpu.memory_space<vmem>>, vector<1x16xi32>,
    %get3A_284 = vector.shape_cast %get3A_283 : vector<1x16xi32> to vector<16xi32>
    %add3A_285 = arith.addi %get3A_284, %add3A_21 : vector<16xi32>
    %swap3A_286 = arith.constant 2 : i32
    %swap3A_287 = arith.index_cast %swap3A_286 : i32 to index
    %swap3A_288 = arith.constant 32 : index
    %swap3A_289 = tpu.vector_load %arg5[%swap3A_287, %swap3A_288] {strides = array<i32>} : memref<12x128xi32, #tpu.memory_space<vmem>>, vector<1x16xi32>,
    %swap3A_290 = vector.shape_cast %swap3A_289 : vector<1x16xi32> to vector<16xi32>
    %swap3A_291 = vector.shape_cast %add3A_285 : vector<16xi32> to vector<1x16xi32>
    tpu.vector_store %arg5[%swap3A_287, %swap3A_288], %swap3A_291 {strides = array<i32>} : memref<12x128xi32, #tpu.memory_space<vmem>>, vector<1x16xi32>,
    %get3A_292 = arith.constant 2 : i32
    %get3A_293 = arith.index_cast %get3A_292 : i32 to index
    %get3A_294 = arith.constant 48 : index
    %get3A_295 = tpu.vector_load %arg5[%get3A_293, %get3A_294] {strides = array<i32>} : memref<12x128xi32, #tpu.memory_space<vmem>>, vector<1x16xi32>,
    %get3A_296 = vector.shape_cast %get3A_295 : vector<1x16xi32> to vector<16xi32>
    %add3A_297 = arith.addi %get3A_296, %add3A_43 : vector<16xi32>
    %swap3A_298 = arith.constant 2 : i32
    %swap3A_299 = arith.index_cast %swap3A_298 : i32 to index
    %swap3A_300 = arith.constant 48 : index
    %swap3A_301 = tpu.vector_load %arg5[%swap3A_299, %swap3A_300] {strides = array<i32>} : memref<12x128xi32, #tpu.memory_space<vmem>>, vector<1x16xi32>,
    %swap3A_302 = vector.shape_cast %swap3A_301 : vector<1x16xi32> to vector<16xi32>
    %swap3A_303 = vector.shape_cast %add3A_297 : vector<16xi32> to vector<1x16xi32>
    tpu.vector_store %arg5[%swap3A_299, %swap3A_300], %swap3A_303 {strides = array<i32>} : memref<12x128xi32, #tpu.memory_space<vmem>>, vector<1x16xi32>,
    %get3A_304 = arith.constant 2 : i32
    %get3A_305 = arith.index_cast %get3A_304 : i32 to index
    %get3A_306 = arith.constant 64 : index
    %get3A_307 = tpu.vector_load %arg5[%get3A_305, %get3A_306] {strides = array<i32>} : memref<12x128xi32, #tpu.memory_space<vmem>>, vector<1x16xi32>,
    %get3A_308 = vector.shape_cast %get3A_307 : vector<1x16xi32> to vector<16xi32>
    %add3A_309 = arith.addi %get3A_308, %add3A_65 : vector<16xi32>
    %swap3A_310 = arith.constant 2 : i32
    %swap3A_311 = arith.index_cast %swap3A_310 : i32 to index
    %swap3A_312 = arith.constant 64 : index
    %swap3A_313 = tpu.vector_load %arg5[%swap3A_311, %swap3A_312] {strides = array<i32>} : memref<12x128xi32, #tpu.memory_space<vmem>>, vector<1x16xi32>,
    %swap3A_314 = vector.shape_cast %swap3A_313 : vector<1x16xi32> to vector<16xi32>
    %swap3A_315 = vector.shape_cast %add3A_309 : vector<16xi32> to vector<1x16xi32>
    tpu.vector_store %arg5[%swap3A_311, %swap3A_312], %swap3A_315 {strides = array<i32>} : memref<12x128xi32, #tpu.memory_space<vmem>>, vector<1x16xi32>,
    %get3A_316 = arith.constant 2 : i32
    %get3A_317 = arith.index_cast %get3A_316 : i32 to index
    %get3A_318 = arith.constant 80 : index
    %get3A_319 = tpu.vector_load %arg5[%get3A_317, %get3A_318] {strides = array<i32>} : memref<12x128xi32, #tpu.memory_space<vmem>>, vector<1x16xi32>,
    %get3A_320 = vector.shape_cast %get3A_319 : vector<1x16xi32> to vector<16xi32>
    %add3A_321 = arith.addi %get3A_320, %add3A_21 : vector<16xi32>
    %swap3A_322 = arith.constant 2 : i32
    %swap3A_323 = arith.index_cast %swap3A_322 : i32 to index
    %swap3A_324 = arith.constant 80 : index
    %swap3A_325 = tpu.vector_load %arg5[%swap3A_323, %swap3A_324] {strides = array<i32>} : memref<12x128xi32, #tpu.memory_space<vmem>>, vector<1x16xi32>,
    %swap3A_326 = vector.shape_cast %swap3A_325 : vector<1x16xi32> to vector<16xi32>
    %swap3A_327 = vector.shape_cast %add3A_321 : vector<16xi32> to vector<1x16xi32>
    tpu.vector_store %arg5[%swap3A_323, %swap3A_324], %swap3A_327 {strides = array<i32>} : memref<12x128xi32, #tpu.memory_space<vmem>>, vector<1x16xi32>,
    %get3A_328 = arith.constant 2 : i32
    %get3A_329 = arith.index_cast %get3A_328 : i32 to index
    %get3A_330 = arith.constant 96 : index
    %get3A_331 = tpu.vector_load %arg5[%get3A_329, %get3A_330] {strides = array<i32>} : memref<12x128xi32, #tpu.memory_space<vmem>>, vector<1x16xi32>,
    %get3A_332 = vector.shape_cast %get3A_331 : vector<1x16xi32> to vector<16xi32>
    %add3A_333 = arith.addi %get3A_332, %add3A_43 : vector<16xi32>
    %swap3A_334 = arith.constant 2 : i32
    %swap3A_335 = arith.index_cast %swap3A_334 : i32 to index
    %swap3A_336 = arith.constant 96 : index
    %swap3A_337 = tpu.vector_load %arg5[%swap3A_335, %swap3A_336] {strides = array<i32>} : memref<12x128xi32, #tpu.memory_space<vmem>>, vector<1x16xi32>,
    %swap3A_338 = vector.shape_cast %swap3A_337 : vector<1x16xi32> to vector<16xi32>
    %swap3A_339 = vector.shape_cast %add3A_333 : vector<16xi32> to vector<1x16xi32>
    tpu.vector_store %arg5[%swap3A_335, %swap3A_336], %swap3A_339 {strides = array<i32>} : memref<12x128xi32, #tpu.memory_space<vmem>>, vector<1x16xi32>,
    %get3A_340 = arith.constant 2 : i32
    %get3A_341 = arith.index_cast %get3A_340 : i32 to index
    %get3A_342 = arith.constant 112 : index
    %get3A_343 = tpu.vector_load %arg5[%get3A_341, %get3A_342] {strides = array<i32>} : memref<12x128xi32, #tpu.memory_space<vmem>>, vector<1x16xi32>,
    %get3A_344 = vector.shape_cast %get3A_343 : vector<1x16xi32> to vector<16xi32>
    %add3A_345 = arith.addi %get3A_344, %add3A_65 : vector<16xi32>
    %swap3A_346 = arith.constant 2 : i32
    %swap3A_347 = arith.index_cast %swap3A_346 : i32 to index
    %swap3A_348 = arith.constant 112 : index
    %swap3A_349 = tpu.vector_load %arg5[%swap3A_347, %swap3A_348] {strides = array<i32>} : memref<12x128xi32, #tpu.memory_space<vmem>>, vector<1x16xi32>,
    %swap3A_350 = vector.shape_cast %swap3A_349 : vector<1x16xi32> to vector<16xi32>
    %swap3A_351 = vector.shape_cast %add3A_345 : vector<16xi32> to vector<1x16xi32>
    tpu.vector_store %arg5[%swap3A_347, %swap3A_348], %swap3A_351 {strides = array<i32>} : memref<12x128xi32, #tpu.memory_space<vmem>>, vector<1x16xi32>,
    %get3A_352 = arith.constant 3 : i32
    %get3A_353 = arith.index_cast %get3A_352 : i32 to index
    %get3A_354 = arith.constant 0 : index
    %get3A_355 = tpu.vector_load %arg5[%get3A_353, %get3A_354] {strides = array<i32>} : memref<12x128xi32, #tpu.memory_space<vmem>>, vector<1x16xi32>,
    %get3A_356 = vector.shape_cast %get3A_355 : vector<1x16xi32> to vector<16xi32>
    %add3A_357 = arith.addi %get3A_356, %add3A_21 : vector<16xi32>
    %swap3A_358 = arith.constant 3 : i32
    %swap3A_359 = arith.index_cast %swap3A_358 : i32 to index
    %swap3A_360 = arith.constant 0 : index
    %swap3A_361 = tpu.vector_load %arg5[%swap3A_359, %swap3A_360] {strides = array<i32>} : memref<12x128xi32, #tpu.memory_space<vmem>>, vector<1x16xi32>,
    %swap3A_362 = vector.shape_cast %swap3A_361 : vector<1x16xi32> to vector<16xi32>
    %swap3A_363 = vector.shape_cast %add3A_357 : vector<16xi32> to vector<1x16xi32>
    tpu.vector_store %arg5[%swap3A_359, %swap3A_360], %swap3A_363 {strides = array<i32>} : memref<12x128xi32, #tpu.memory_space<vmem>>, vector<1x16xi32>,
    %get3A_364 = arith.constant 3 : i32
    %get3A_365 = arith.index_cast %get3A_364 : i32 to index
    %get3A_366 = arith.constant 16 : index
    %get3A_367 = tpu.vector_load %arg5[%get3A_365, %get3A_366] {strides = array<i32>} : memref<12x128xi32, #tpu.memory_space<vmem>>, vector<1x16xi32>,
    %get3A_368 = vector.shape_cast %get3A_367 : vector<1x16xi32> to vector<16xi32>
    %add3A_369 = arith.addi %get3A_368, %add3A_43 : vector<16xi32>
    %swap3A_370 = arith.constant 3 : i32
    %swap3A_371 = arith.index_cast %swap3A_370 : i32 to index
    %swap3A_372 = arith.constant 16 : index
    %swap3A_373 = tpu.vector_load %arg5[%swap3A_371, %swap3A_372] {strides = array<i32>} : memref<12x128xi32, #tpu.memory_space<vmem>>, vector<1x16xi32>,
    %swap3A_374 = vector.shape_cast %swap3A_373 : vector<1x16xi32> to vector<16xi32>
    %swap3A_375 = vector.shape_cast %add3A_369 : vector<16xi32> to vector<1x16xi32>
    tpu.vector_store %arg5[%swap3A_371, %swap3A_372], %swap3A_375 {strides = array<i32>} : memref<12x128xi32, #tpu.memory_space<vmem>>, vector<1x16xi32>,
    %get3A_376 = arith.constant 3 : i32
    %get3A_377 = arith.index_cast %get3A_376 : i32 to index
    %get3A_378 = arith.constant 32 : index
    %get3A_379 = tpu.vector_load %arg5[%get3A_377, %get3A_378] {strides = array<i32>} : memref<12x128xi32, #tpu.memory_space<vmem>>, vector<1x16xi32>,
    %get3A_380 = vector.shape_cast %get3A_379 : vector<1x16xi32> to vector<16xi32>
    %add3A_381 = arith.addi %get3A_380, %add3A_65 : vector<16xi32>
    %swap3A_382 = arith.constant 3 : i32
    %swap3A_383 = arith.index_cast %swap3A_382 : i32 to index
    %swap3A_384 = arith.constant 32 : index
    %swap3A_385 = tpu.vector_load %arg5[%swap3A_383, %swap3A_384] {strides = array<i32>} : memref<12x128xi32, #tpu.memory_space<vmem>>, vector<1x16xi32>,
    %swap3A_386 = vector.shape_cast %swap3A_385 : vector<1x16xi32> to vector<16xi32>
    %swap3A_387 = vector.shape_cast %add3A_381 : vector<16xi32> to vector<1x16xi32>
    tpu.vector_store %arg5[%swap3A_383, %swap3A_384], %swap3A_387 {strides = array<i32>} : memref<12x128xi32, #tpu.memory_space<vmem>>, vector<1x16xi32>,
    %get3A_388 = arith.constant 3 : i32
    %get3A_389 = arith.index_cast %get3A_388 : i32 to index
    %get3A_390 = arith.constant 48 : index
    %get3A_391 = tpu.vector_load %arg5[%get3A_389, %get3A_390] {strides = array<i32>} : memref<12x128xi32, #tpu.memory_space<vmem>>, vector<1x16xi32>,
    %get3A_392 = vector.shape_cast %get3A_391 : vector<1x16xi32> to vector<16xi32>
    %add3A_393 = arith.addi %get3A_392, %add3A_21 : vector<16xi32>
    %swap3A_394 = arith.constant 3 : i32
    %swap3A_395 = arith.index_cast %swap3A_394 : i32 to index
    %swap3A_396 = arith.constant 48 : index
    %swap3A_397 = tpu.vector_load %arg5[%swap3A_395, %swap3A_396] {strides = array<i32>} : memref<12x128xi32, #tpu.memory_space<vmem>>, vector<1x16xi32>,
    %swap3A_398 = vector.shape_cast %swap3A_397 : vector<1x16xi32> to vector<16xi32>
    %swap3A_399 = vector.shape_cast %add3A_393 : vector<16xi32> to vector<1x16xi32>
    tpu.vector_store %arg5[%swap3A_395, %swap3A_396], %swap3A_399 {strides = array<i32>} : memref<12x128xi32, #tpu.memory_space<vmem>>, vector<1x16xi32>,
    %get3A_400 = arith.constant 3 : i32
    %get3A_401 = arith.index_cast %get3A_400 : i32 to index
    %get3A_402 = arith.constant 64 : index
    %get3A_403 = tpu.vector_load %arg5[%get3A_401, %get3A_402] {strides = array<i32>} : memref<12x128xi32, #tpu.memory_space<vmem>>, vector<1x16xi32>,
    %get3A_404 = vector.shape_cast %get3A_403 : vector<1x16xi32> to vector<16xi32>
    %add3A_405 = arith.addi %get3A_404, %add3A_43 : vector<16xi32>
    %swap3A_406 = arith.constant 3 : i32
    %swap3A_407 = arith.index_cast %swap3A_406 : i32 to index
    %swap3A_408 = arith.constant 64 : index
    %swap3A_409 = tpu.vector_load %arg5[%swap3A_407, %swap3A_408] {strides = array<i32>} : memref<12x128xi32, #tpu.memory_space<vmem>>, vector<1x16xi32>,
    %swap3A_410 = vector.shape_cast %swap3A_409 : vector<1x16xi32> to vector<16xi32>
    %swap3A_411 = vector.shape_cast %add3A_405 : vector<16xi32> to vector<1x16xi32>
    tpu.vector_store %arg5[%swap3A_407, %swap3A_408], %swap3A_411 {strides = array<i32>} : memref<12x128xi32, #tpu.memory_space<vmem>>, vector<1x16xi32>,
    %get3A_412 = arith.constant 3 : i32
    %get3A_413 = arith.index_cast %get3A_412 : i32 to index
    %get3A_414 = arith.constant 80 : index
    %get3A_415 = tpu.vector_load %arg5[%get3A_413, %get3A_414] {strides = array<i32>} : memref<12x128xi32, #tpu.memory_space<vmem>>, vector<1x16xi32>,
    %get3A_416 = vector.shape_cast %get3A_415 : vector<1x16xi32> to vector<16xi32>
    %add3A_417 = arith.addi %get3A_416, %add3A_65 : vector<16xi32>
    %swap3A_418 = arith.constant 3 : i32
    %swap3A_419 = arith.index_cast %swap3A_418 : i32 to index
    %swap3A_420 = arith.constant 80 : index
    %swap3A_421 = tpu.vector_load %arg5[%swap3A_419, %swap3A_420] {strides = array<i32>} : memref<12x128xi32, #tpu.memory_space<vmem>>, vector<1x16xi32>,
    %swap3A_422 = vector.shape_cast %swap3A_421 : vector<1x16xi32> to vector<16xi32>
    %swap3A_423 = vector.shape_cast %add3A_417 : vector<16xi32> to vector<1x16xi32>
    tpu.vector_store %arg5[%swap3A_419, %swap3A_420], %swap3A_423 {strides = array<i32>} : memref<12x128xi32, #tpu.memory_space<vmem>>, vector<1x16xi32>,
    %get3A_424 = arith.constant 3 : i32
    %get3A_425 = arith.index_cast %get3A_424 : i32 to index
    %get3A_426 = arith.constant 96 : index
    %get3A_427 = tpu.vector_load %arg5[%get3A_425, %get3A_426] {strides = array<i32>} : memref<12x128xi32, #tpu.memory_space<vmem>>, vector<1x16xi32>,
    %get3A_428 = vector.shape_cast %get3A_427 : vector<1x16xi32> to vector<16xi32>
    %add3A_429 = arith.addi %get3A_428, %add3A_21 : vector<16xi32>
    %swap3A_430 = arith.constant 3 : i32
    %swap3A_431 = arith.index_cast %swap3A_430 : i32 to index
    %swap3A_432 = arith.constant 96 : index
    %swap3A_433 = tpu.vector_load %arg5[%swap3A_431, %swap3A_432] {strides = array<i32>} : memref<12x128xi32, #tpu.memory_space<vmem>>, vector<1x16xi32>,
    %swap3A_434 = vector.shape_cast %swap3A_433 : vector<1x16xi32> to vector<16xi32>
    %swap3A_435 = vector.shape_cast %add3A_429 : vector<16xi32> to vector<1x16xi32>
    tpu.vector_store %arg5[%swap3A_431, %swap3A_432], %swap3A_435 {strides = array<i32>} : memref<12x128xi32, #tpu.memory_space<vmem>>, vector<1x16xi32>,
    %get3A_436 = arith.constant 3 : i32
    %get3A_437 = arith.index_cast %get3A_436 : i32 to index
    %get3A_438 = arith.constant 112 : index
    %get3A_439 = tpu.vector_load %arg5[%get3A_437, %get3A_438] {strides = array<i32>} : memref<12x128xi32, #tpu.memory_space<vmem>>, vector<1x16xi32>,
    %get3A_440 = vector.shape_cast %get3A_439 : vector<1x16xi32> to vector<16xi32>
    %add3A_441 = arith.addi %get3A_440, %add3A_43 : vector<16xi32>
    %swap3A_442 = arith.constant 3 : i32
    %swap3A_443 = arith.index_cast %swap3A_442 : i32 to index
    %swap3A_444 = arith.constant 112 : index
    %swap3A_445 = tpu.vector_load %arg5[%swap3A_443, %swap3A_444] {strides = array<i32>} : memref<12x128xi32, #tpu.memory_space<vmem>>, vector<1x16xi32>,
    %swap3A_446 = vector.shape_cast %swap3A_445 : vector<1x16xi32> to vector<16xi32>
    %swap3A_447 = vector.shape_cast %add3A_441 : vector<16xi32> to vector<1x16xi32>
    tpu.vector_store %arg5[%swap3A_443, %swap3A_444], %swap3A_447 {strides = array<i32>} : memref<12x128xi32, #tpu.memory_space<vmem>>, vector<1x16xi32>,
    %get3A_448 = arith.constant 4 : i32
    %get3A_449 = arith.index_cast %get3A_448 : i32 to index
    %get3A_450 = arith.constant 0 : index
    %get3A_451 = tpu.vector_load %arg5[%get3A_449, %get3A_450] {strides = array<i32>} : memref<12x128xi32, #tpu.memory_space<vmem>>, vector<1x16xi32>,
    %get3A_452 = vector.shape_cast %get3A_451 : vector<1x16xi32> to vector<16xi32>
    %add3A_453 = arith.addi %get3A_452, %add3A_65 : vector<16xi32>
    %swap3A_454 = arith.constant 4 : i32
    %swap3A_455 = arith.index_cast %swap3A_454 : i32 to index
    %swap3A_456 = arith.constant 0 : index
    %swap3A_457 = tpu.vector_load %arg5[%swap3A_455, %swap3A_456] {strides = array<i32>} : memref<12x128xi32, #tpu.memory_space<vmem>>, vector<1x16xi32>,
    %swap3A_458 = vector.shape_cast %swap3A_457 : vector<1x16xi32> to vector<16xi32>
    %swap3A_459 = vector.shape_cast %add3A_453 : vector<16xi32> to vector<1x16xi32>
    tpu.vector_store %arg5[%swap3A_455, %swap3A_456], %swap3A_459 {strides = array<i32>} : memref<12x128xi32, #tpu.memory_space<vmem>>, vector<1x16xi32>,
    %get3A_460 = arith.constant 4 : i32
    %get3A_461 = arith.index_cast %get3A_460 : i32 to index
    %get3A_462 = arith.constant 16 : index
    %get3A_463 = tpu.vector_load %arg5[%get3A_461, %get3A_462] {strides = array<i32>} : memref<12x128xi32, #tpu.memory_space<vmem>>, vector<1x16xi32>,
    %get3A_464 = vector.shape_cast %get3A_463 : vector<1x16xi32> to vector<16xi32>
    %add3A_465 = arith.addi %get3A_464, %add3A_21 : vector<16xi32>
    %swap3A_466 = arith.constant 4 : i32
    %swap3A_467 = arith.index_cast %swap3A_466 : i32 to index
    %swap3A_468 = arith.constant 16 : index
    %swap3A_469 = tpu.vector_load %arg5[%swap3A_467, %swap3A_468] {strides = array<i32>} : memref<12x128xi32, #tpu.memory_space<vmem>>, vector<1x16xi32>,
    %swap3A_470 = vector.shape_cast %swap3A_469 : vector<1x16xi32> to vector<16xi32>
    %swap3A_471 = vector.shape_cast %add3A_465 : vector<16xi32> to vector<1x16xi32>
    tpu.vector_store %arg5[%swap3A_467, %swap3A_468], %swap3A_471 {strides = array<i32>} : memref<12x128xi32, #tpu.memory_space<vmem>>, vector<1x16xi32>,
    %get3A_472 = arith.constant 4 : i32
    %get3A_473 = arith.index_cast %get3A_472 : i32 to index
    %get3A_474 = arith.constant 32 : index
    %get3A_475 = tpu.vector_load %arg5[%get3A_473, %get3A_474] {strides = array<i32>} : memref<12x128xi32, #tpu.memory_space<vmem>>, vector<1x16xi32>,
    %get3A_476 = vector.shape_cast %get3A_475 : vector<1x16xi32> to vector<16xi32>
    %add3A_477 = arith.addi %get3A_476, %add3A_43 : vector<16xi32>
    %swap3A_478 = arith.constant 4 : i32
    %swap3A_479 = arith.index_cast %swap3A_478 : i32 to index
    %swap3A_480 = arith.constant 32 : index
    %swap3A_481 = tpu.vector_load %arg5[%swap3A_479, %swap3A_480] {strides = array<i32>} : memref<12x128xi32, #tpu.memory_space<vmem>>, vector<1x16xi32>,
    %swap3A_482 = vector.shape_cast %swap3A_481 : vector<1x16xi32> to vector<16xi32>
    %swap3A_483 = vector.shape_cast %add3A_477 : vector<16xi32> to vector<1x16xi32>
    tpu.vector_store %arg5[%swap3A_479, %swap3A_480], %swap3A_483 {strides = array<i32>} : memref<12x128xi32, #tpu.memory_space<vmem>>, vector<1x16xi32>,
    %get3A_484 = arith.constant 4 : i32
    %get3A_485 = arith.index_cast %get3A_484 : i32 to index
    %get3A_486 = arith.constant 48 : index
    %get3A_487 = tpu.vector_load %arg5[%get3A_485, %get3A_486] {strides = array<i32>} : memref<12x128xi32, #tpu.memory_space<vmem>>, vector<1x16xi32>,
    %get3A_488 = vector.shape_cast %get3A_487 : vector<1x16xi32> to vector<16xi32>
    %add3A_489 = arith.addi %get3A_488, %add3A_65 : vector<16xi32>
    %swap3A_490 = arith.constant 4 : i32
    %swap3A_491 = arith.index_cast %swap3A_490 : i32 to index
    %swap3A_492 = arith.constant 48 : index
    %swap3A_493 = tpu.vector_load %arg5[%swap3A_491, %swap3A_492] {strides = array<i32>} : memref<12x128xi32, #tpu.memory_space<vmem>>, vector<1x16xi32>,
    %swap3A_494 = vector.shape_cast %swap3A_493 : vector<1x16xi32> to vector<16xi32>
    %swap3A_495 = vector.shape_cast %add3A_489 : vector<16xi32> to vector<1x16xi32>
    tpu.vector_store %arg5[%swap3A_491, %swap3A_492], %swap3A_495 {strides = array<i32>} : memref<12x128xi32, #tpu.memory_space<vmem>>, vector<1x16xi32>,
    %get3A_496 = arith.constant 4 : i32
    %get3A_497 = arith.index_cast %get3A_496 : i32 to index
    %get3A_498 = arith.constant 64 : index
    %get3A_499 = tpu.vector_load %arg5[%get3A_497, %get3A_498] {strides = array<i32>} : memref<12x128xi32, #tpu.memory_space<vmem>>, vector<1x16xi32>,
    %get3A_500 = vector.shape_cast %get3A_499 : vector<1x16xi32> to vector<16xi32>
    %add3A_501 = arith.addi %get3A_500, %add3A_21 : vector<16xi32>
    %swap3A_502 = arith.constant 4 : i32
    %swap3A_503 = arith.index_cast %swap3A_502 : i32 to index
    %swap3A_504 = arith.constant 64 : index
    %swap3A_505 = tpu.vector_load %arg5[%swap3A_503, %swap3A_504] {strides = array<i32>} : memref<12x128xi32, #tpu.memory_space<vmem>>, vector<1x16xi32>,
    %swap3A_506 = vector.shape_cast %swap3A_505 : vector<1x16xi32> to vector<16xi32>
    %swap3A_507 = vector.shape_cast %add3A_501 : vector<16xi32> to vector<1x16xi32>
    tpu.vector_store %arg5[%swap3A_503, %swap3A_504], %swap3A_507 {strides = array<i32>} : memref<12x128xi32, #tpu.memory_space<vmem>>, vector<1x16xi32>,
    %get3A_508 = arith.constant 4 : i32
    %get3A_509 = arith.index_cast %get3A_508 : i32 to index
    %get3A_510 = arith.constant 80 : index
    %get3A_511 = tpu.vector_load %arg5[%get3A_509, %get3A_510] {strides = array<i32>} : memref<12x128xi32, #tpu.memory_space<vmem>>, vector<1x16xi32>,
    %get3A_512 = vector.shape_cast %get3A_511 : vector<1x16xi32> to vector<16xi32>
    %add3A_513 = arith.addi %get3A_512, %add3A_43 : vector<16xi32>
    %swap3A_514 = arith.constant 4 : i32
    %swap3A_515 = arith.index_cast %swap3A_514 : i32 to index
    %swap3A_516 = arith.constant 80 : index
    %swap3A_517 = tpu.vector_load %arg5[%swap3A_515, %swap3A_516] {strides = array<i32>} : memref<12x128xi32, #tpu.memory_space<vmem>>, vector<1x16xi32>,
    %swap3A_518 = vector.shape_cast %swap3A_517 : vector<1x16xi32> to vector<16xi32>
    %swap3A_519 = vector.shape_cast %add3A_513 : vector<16xi32> to vector<1x16xi32>
    tpu.vector_store %arg5[%swap3A_515, %swap3A_516], %swap3A_519 {strides = array<i32>} : memref<12x128xi32, #tpu.memory_space<vmem>>, vector<1x16xi32>,
    %get3A_520 = arith.constant 4 : i32
    %get3A_521 = arith.index_cast %get3A_520 : i32 to index
    %get3A_522 = arith.constant 96 : index
    %get3A_523 = tpu.vector_load %arg5[%get3A_521, %get3A_522] {strides = array<i32>} : memref<12x128xi32, #tpu.memory_space<vmem>>, vector<1x16xi32>,
    %get3A_524 = vector.shape_cast %get3A_523 : vector<1x16xi32> to vector<16xi32>
    %add3A_525 = arith.addi %get3A_524, %add3A_65 : vector<16xi32>
    %swap3A_526 = arith.constant 4 : i32
    %swap3A_527 = arith.index_cast %swap3A_526 : i32 to index
    %swap3A_528 = arith.constant 96 : index
    %swap3A_529 = tpu.vector_load %arg5[%swap3A_527, %swap3A_528] {strides = array<i32>} : memref<12x128xi32, #tpu.memory_space<vmem>>, vector<1x16xi32>,
    %swap3A_530 = vector.shape_cast %swap3A_529 : vector<1x16xi32> to vector<16xi32>
    %swap3A_531 = vector.shape_cast %add3A_525 : vector<16xi32> to vector<1x16xi32>
    tpu.vector_store %arg5[%swap3A_527, %swap3A_528], %swap3A_531 {strides = array<i32>} : memref<12x128xi32, #tpu.memory_space<vmem>>, vector<1x16xi32>,
    %get3A_532 = arith.constant 4 : i32
    %get3A_533 = arith.index_cast %get3A_532 : i32 to index
    %get3A_534 = arith.constant 112 : index
    %get3A_535 = tpu.vector_load %arg5[%get3A_533, %get3A_534] {strides = array<i32>} : memref<12x128xi32, #tpu.memory_space<vmem>>, vector<1x16xi32>,
    %get3A_536 = vector.shape_cast %get3A_535 : vector<1x16xi32> to vector<16xi32>
    %add3A_537 = arith.addi %get3A_536, %add3A_21 : vector<16xi32>
    %swap3A_538 = arith.constant 4 : i32
    %swap3A_539 = arith.index_cast %swap3A_538 : i32 to index
    %swap3A_540 = arith.constant 112 : index
    %swap3A_541 = tpu.vector_load %arg5[%swap3A_539, %swap3A_540] {strides = array<i32>} : memref<12x128xi32, #tpu.memory_space<vmem>>, vector<1x16xi32>,
    %swap3A_542 = vector.shape_cast %swap3A_541 : vector<1x16xi32> to vector<16xi32>
    %swap3A_543 = vector.shape_cast %add3A_537 : vector<16xi32> to vector<1x16xi32>
    tpu.vector_store %arg5[%swap3A_539, %swap3A_540], %swap3A_543 {strides = array<i32>} : memref<12x128xi32, #tpu.memory_space<vmem>>, vector<1x16xi32>,
    %get3A_544 = arith.constant 5 : i32
    %get3A_545 = arith.index_cast %get3A_544 : i32 to index
    %get3A_546 = arith.constant 0 : index
    %get3A_547 = tpu.vector_load %arg5[%get3A_545, %get3A_546] {strides = array<i32>} : memref<12x128xi32, #tpu.memory_space<vmem>>, vector<1x16xi32>,
    %get3A_548 = vector.shape_cast %get3A_547 : vector<1x16xi32> to vector<16xi32>
    %add3A_549 = arith.addi %get3A_548, %add3A_43 : vector<16xi32>
    %swap3A_550 = arith.constant 5 : i32
    %swap3A_551 = arith.index_cast %swap3A_550 : i32 to index
    %swap3A_552 = arith.constant 0 : index
    %swap3A_553 = tpu.vector_load %arg5[%swap3A_551, %swap3A_552] {strides = array<i32>} : memref<12x128xi32, #tpu.memory_space<vmem>>, vector<1x16xi32>,
    %swap3A_554 = vector.shape_cast %swap3A_553 : vector<1x16xi32> to vector<16xi32>
    %swap3A_555 = vector.shape_cast %add3A_549 : vector<16xi32> to vector<1x16xi32>
    tpu.vector_store %arg5[%swap3A_551, %swap3A_552], %swap3A_555 {strides = array<i32>} : memref<12x128xi32, #tpu.memory_space<vmem>>, vector<1x16xi32>,
    %get3A_556 = arith.constant 5 : i32
    %get3A_557 = arith.index_cast %get3A_556 : i32 to index
    %get3A_558 = arith.constant 16 : index
    %get3A_559 = tpu.vector_load %arg5[%get3A_557, %get3A_558] {strides = array<i32>} : memref<12x128xi32, #tpu.memory_space<vmem>>, vector<1x16xi32>,
    %get3A_560 = vector.shape_cast %get3A_559 : vector<1x16xi32> to vector<16xi32>
    %add3A_561 = arith.addi %get3A_560, %add3A_65 : vector<16xi32>
    %swap3A_562 = arith.constant 5 : i32
    %swap3A_563 = arith.index_cast %swap3A_562 : i32 to index
    %swap3A_564 = arith.constant 16 : index
    %swap3A_565 = tpu.vector_load %arg5[%swap3A_563, %swap3A_564] {strides = array<i32>} : memref<12x128xi32, #tpu.memory_space<vmem>>, vector<1x16xi32>,
    %swap3A_566 = vector.shape_cast %swap3A_565 : vector<1x16xi32> to vector<16xi32>
    %swap3A_567 = vector.shape_cast %add3A_561 : vector<16xi32> to vector<1x16xi32>
    tpu.vector_store %arg5[%swap3A_563, %swap3A_564], %swap3A_567 {strides = array<i32>} : memref<12x128xi32, #tpu.memory_space<vmem>>, vector<1x16xi32>,
    %get3A_568 = arith.constant 5 : i32
    %get3A_569 = arith.index_cast %get3A_568 : i32 to index
    %get3A_570 = arith.constant 32 : index
    %get3A_571 = tpu.vector_load %arg5[%get3A_569, %get3A_570] {strides = array<i32>} : memref<12x128xi32, #tpu.memory_space<vmem>>, vector<1x16xi32>,
    %get3A_572 = vector.shape_cast %get3A_571 : vector<1x16xi32> to vector<16xi32>
    %add3A_573 = arith.addi %get3A_572, %add3A_21 : vector<16xi32>
    %swap3A_574 = arith.constant 5 : i32
    %swap3A_575 = arith.index_cast %swap3A_574 : i32 to index
    %swap3A_576 = arith.constant 32 : index
    %swap3A_577 = tpu.vector_load %arg5[%swap3A_575, %swap3A_576] {strides = array<i32>} : memref<12x128xi32, #tpu.memory_space<vmem>>, vector<1x16xi32>,
    %swap3A_578 = vector.shape_cast %swap3A_577 : vector<1x16xi32> to vector<16xi32>
    %swap3A_579 = vector.shape_cast %add3A_573 : vector<16xi32> to vector<1x16xi32>
    tpu.vector_store %arg5[%swap3A_575, %swap3A_576], %swap3A_579 {strides = array<i32>} : memref<12x128xi32, #tpu.memory_space<vmem>>, vector<1x16xi32>,
    %get3A_580 = arith.constant 5 : i32
    %get3A_581 = arith.index_cast %get3A_580 : i32 to index
    %get3A_582 = arith.constant 48 : index
    %get3A_583 = tpu.vector_load %arg5[%get3A_581, %get3A_582] {strides = array<i32>} : memref<12x128xi32, #tpu.memory_space<vmem>>, vector<1x16xi32>,
    %get3A_584 = vector.shape_cast %get3A_583 : vector<1x16xi32> to vector<16xi32>
    %add3A_585 = arith.addi %get3A_584, %add3A_43 : vector<16xi32>
    %swap3A_586 = arith.constant 5 : i32
    %swap3A_587 = arith.index_cast %swap3A_586 : i32 to index
    %swap3A_588 = arith.constant 48 : index
    %swap3A_589 = tpu.vector_load %arg5[%swap3A_587, %swap3A_588] {strides = array<i32>} : memref<12x128xi32, #tpu.memory_space<vmem>>, vector<1x16xi32>,
    %swap3A_590 = vector.shape_cast %swap3A_589 : vector<1x16xi32> to vector<16xi32>
    %swap3A_591 = vector.shape_cast %add3A_585 : vector<16xi32> to vector<1x16xi32>
    tpu.vector_store %arg5[%swap3A_587, %swap3A_588], %swap3A_591 {strides = array<i32>} : memref<12x128xi32, #tpu.memory_space<vmem>>, vector<1x16xi32>,
    %get3A_592 = arith.constant 5 : i32
    %get3A_593 = arith.index_cast %get3A_592 : i32 to index
    %get3A_594 = arith.constant 64 : index
    %get3A_595 = tpu.vector_load %arg5[%get3A_593, %get3A_594] {strides = array<i32>} : memref<12x128xi32, #tpu.memory_space<vmem>>, vector<1x16xi32>,
    %get3A_596 = vector.shape_cast %get3A_595 : vector<1x16xi32> to vector<16xi32>
    %add3A_597 = arith.addi %get3A_596, %add3A_65 : vector<16xi32>
    %swap3A_598 = arith.constant 5 : i32
    %swap3A_599 = arith.index_cast %swap3A_598 : i32 to index
    %swap3A_600 = arith.constant 64 : index
    %swap3A_601 = tpu.vector_load %arg5[%swap3A_599, %swap3A_600] {strides = array<i32>} : memref<12x128xi32, #tpu.memory_space<vmem>>, vector<1x16xi32>,
    %swap3A_602 = vector.shape_cast %swap3A_601 : vector<1x16xi32> to vector<16xi32>
    %swap3A_603 = vector.shape_cast %add3A_597 : vector<16xi32> to vector<1x16xi32>
    tpu.vector_store %arg5[%swap3A_599, %swap3A_600], %swap3A_603 {strides = array<i32>} : memref<12x128xi32, #tpu.memory_space<vmem>>, vector<1x16xi32>,
    %get3A_604 = arith.constant 5 : i32
    %get3A_605 = arith.index_cast %get3A_604 : i32 to index
    %get3A_606 = arith.constant 80 : index
    %get3A_607 = tpu.vector_load %arg5[%get3A_605, %get3A_606] {strides = array<i32>} : memref<12x128xi32, #tpu.memory_space<vmem>>, vector<1x16xi32>,
    %get3A_608 = vector.shape_cast %get3A_607 : vector<1x16xi32> to vector<16xi32>
    %add3A_609 = arith.addi %get3A_608, %add3A_21 : vector<16xi32>
    %swap3A_610 = arith.constant 5 : i32
    %swap3A_611 = arith.index_cast %swap3A_610 : i32 to index
    %swap3A_612 = arith.constant 80 : index
    %swap3A_613 = tpu.vector_load %arg5[%swap3A_611, %swap3A_612] {strides = array<i32>} : memref<12x128xi32, #tpu.memory_space<vmem>>, vector<1x16xi32>,
    %swap3A_614 = vector.shape_cast %swap3A_613 : vector<1x16xi32> to vector<16xi32>
    %swap3A_615 = vector.shape_cast %add3A_609 : vector<16xi32> to vector<1x16xi32>
    tpu.vector_store %arg5[%swap3A_611, %swap3A_612], %swap3A_615 {strides = array<i32>} : memref<12x128xi32, #tpu.memory_space<vmem>>, vector<1x16xi32>,
    %get3A_616 = arith.constant 5 : i32
    %get3A_617 = arith.index_cast %get3A_616 : i32 to index
    %get3A_618 = arith.constant 96 : index
    %get3A_619 = tpu.vector_load %arg5[%get3A_617, %get3A_618] {strides = array<i32>} : memref<12x128xi32, #tpu.memory_space<vmem>>, vector<1x16xi32>,
    %get3A_620 = vector.shape_cast %get3A_619 : vector<1x16xi32> to vector<16xi32>
    %add3A_621 = arith.addi %get3A_620, %add3A_43 : vector<16xi32>
    %swap3A_622 = arith.constant 5 : i32
    %swap3A_623 = arith.index_cast %swap3A_622 : i32 to index
    %swap3A_624 = arith.constant 96 : index
    %swap3A_625 = tpu.vector_load %arg5[%swap3A_623, %swap3A_624] {strides = array<i32>} : memref<12x128xi32, #tpu.memory_space<vmem>>, vector<1x16xi32>,
    %swap3A_626 = vector.shape_cast %swap3A_625 : vector<1x16xi32> to vector<16xi32>
    %swap3A_627 = vector.shape_cast %add3A_621 : vector<16xi32> to vector<1x16xi32>
    tpu.vector_store %arg5[%swap3A_623, %swap3A_624], %swap3A_627 {strides = array<i32>} : memref<12x128xi32, #tpu.memory_space<vmem>>, vector<1x16xi32>,
    %get3A_628 = arith.constant 5 : i32
    %get3A_629 = arith.index_cast %get3A_628 : i32 to index
    %get3A_630 = arith.constant 112 : index
    %get3A_631 = tpu.vector_load %arg5[%get3A_629, %get3A_630] {strides = array<i32>} : memref<12x128xi32, #tpu.memory_space<vmem>>, vector<1x16xi32>,
    %get3A_632 = vector.shape_cast %get3A_631 : vector<1x16xi32> to vector<16xi32>
    %add3A_633 = arith.addi %get3A_632, %add3A_65 : vector<16xi32>
    %swap3A_634 = arith.constant 5 : i32
    %swap3A_635 = arith.index_cast %swap3A_634 : i32 to index
    %swap3A_636 = arith.constant 112 : index
    %swap3A_637 = tpu.vector_load %arg5[%swap3A_635, %swap3A_636] {strides = array<i32>} : memref<12x128xi32, #tpu.memory_space<vmem>>, vector<1x16xi32>,
    %swap3A_638 = vector.shape_cast %swap3A_637 : vector<1x16xi32> to vector<16xi32>
    %swap3A_639 = vector.shape_cast %add3A_633 : vector<16xi32> to vector<1x16xi32>
    tpu.vector_store %arg5[%swap3A_635, %swap3A_636], %swap3A_639 {strides = array<i32>} : memref<12x128xi32, #tpu.memory_space<vmem>>, vector<1x16xi32>,
    %get3A_640 = arith.constant 6 : i32
    %get3A_641 = arith.index_cast %get3A_640 : i32 to index
    %get3A_642 = arith.constant 0 : index
    %get3A_643 = tpu.vector_load %arg5[%get3A_641, %get3A_642] {strides = array<i32>} : memref<12x128xi32, #tpu.memory_space<vmem>>, vector<1x16xi32>,
    %get3A_644 = vector.shape_cast %get3A_643 : vector<1x16xi32> to vector<16xi32>
    %add3A_645 = arith.addi %get3A_644, %add3A_21 : vector<16xi32>
    %swap3A_646 = arith.constant 6 : i32
    %swap3A_647 = arith.index_cast %swap3A_646 : i32 to index
    %swap3A_648 = arith.constant 0 : index
    %swap3A_649 = tpu.vector_load %arg5[%swap3A_647, %swap3A_648] {strides = array<i32>} : memref<12x128xi32, #tpu.memory_space<vmem>>, vector<1x16xi32>,
    %swap3A_650 = vector.shape_cast %swap3A_649 : vector<1x16xi32> to vector<16xi32>
    %swap3A_651 = vector.shape_cast %add3A_645 : vector<16xi32> to vector<1x16xi32>
    tpu.vector_store %arg5[%swap3A_647, %swap3A_648], %swap3A_651 {strides = array<i32>} : memref<12x128xi32, #tpu.memory_space<vmem>>, vector<1x16xi32>,
    %get3A_652 = arith.constant 6 : i32
    %get3A_653 = arith.index_cast %get3A_652 : i32 to index
    %get3A_654 = arith.constant 16 : index
    %get3A_655 = tpu.vector_load %arg5[%get3A_653, %get3A_654] {strides = array<i32>} : memref<12x128xi32, #tpu.memory_space<vmem>>, vector<1x16xi32>,
    %get3A_656 = vector.shape_cast %get3A_655 : vector<1x16xi32> to vector<16xi32>
    %add3A_657 = arith.addi %get3A_656, %add3A_43 : vector<16xi32>
    %swap3A_658 = arith.constant 6 : i32
    %swap3A_659 = arith.index_cast %swap3A_658 : i32 to index
    %swap3A_660 = arith.constant 16 : index
    %swap3A_661 = tpu.vector_load %arg5[%swap3A_659, %swap3A_660] {strides = array<i32>} : memref<12x128xi32, #tpu.memory_space<vmem>>, vector<1x16xi32>,
    %swap3A_662 = vector.shape_cast %swap3A_661 : vector<1x16xi32> to vector<16xi32>
    %swap3A_663 = vector.shape_cast %add3A_657 : vector<16xi32> to vector<1x16xi32>
    tpu.vector_store %arg5[%swap3A_659, %swap3A_660], %swap3A_663 {strides = array<i32>} : memref<12x128xi32, #tpu.memory_space<vmem>>, vector<1x16xi32>,
    %get3A_664 = arith.constant 6 : i32
    %get3A_665 = arith.index_cast %get3A_664 : i32 to index
    %get3A_666 = arith.constant 32 : index
    %get3A_667 = tpu.vector_load %arg5[%get3A_665, %get3A_666] {strides = array<i32>} : memref<12x128xi32, #tpu.memory_space<vmem>>, vector<1x16xi32>,
    %get3A_668 = vector.shape_cast %get3A_667 : vector<1x16xi32> to vector<16xi32>
    %add3A_669 = arith.addi %get3A_668, %add3A_65 : vector<16xi32>
    %swap3A_670 = arith.constant 6 : i32
    %swap3A_671 = arith.index_cast %swap3A_670 : i32 to index
    %swap3A_672 = arith.constant 32 : index
    %swap3A_673 = tpu.vector_load %arg5[%swap3A_671, %swap3A_672] {strides = array<i32>} : memref<12x128xi32, #tpu.memory_space<vmem>>, vector<1x16xi32>,
    %swap3A_674 = vector.shape_cast %swap3A_673 : vector<1x16xi32> to vector<16xi32>
    %swap3A_675 = vector.shape_cast %add3A_669 : vector<16xi32> to vector<1x16xi32>
    tpu.vector_store %arg5[%swap3A_671, %swap3A_672], %swap3A_675 {strides = array<i32>} : memref<12x128xi32, #tpu.memory_space<vmem>>, vector<1x16xi32>,
    %get3A_676 = arith.constant 6 : i32
    %get3A_677 = arith.index_cast %get3A_676 : i32 to index
    %get3A_678 = arith.constant 48 : index
    %get3A_679 = tpu.vector_load %arg5[%get3A_677, %get3A_678] {strides = array<i32>} : memref<12x128xi32, #tpu.memory_space<vmem>>, vector<1x16xi32>,
    %get3A_680 = vector.shape_cast %get3A_679 : vector<1x16xi32> to vector<16xi32>
    %add3A_681 = arith.addi %get3A_680, %add3A_21 : vector<16xi32>
    %swap3A_682 = arith.constant 6 : i32
    %swap3A_683 = arith.index_cast %swap3A_682 : i32 to index
    %swap3A_684 = arith.constant 48 : index
    %swap3A_685 = tpu.vector_load %arg5[%swap3A_683, %swap3A_684] {strides = array<i32>} : memref<12x128xi32, #tpu.memory_space<vmem>>, vector<1x16xi32>,
    %swap3A_686 = vector.shape_cast %swap3A_685 : vector<1x16xi32> to vector<16xi32>
    %swap3A_687 = vector.shape_cast %add3A_681 : vector<16xi32> to vector<1x16xi32>
    tpu.vector_store %arg5[%swap3A_683, %swap3A_684], %swap3A_687 {strides = array<i32>} : memref<12x128xi32, #tpu.memory_space<vmem>>, vector<1x16xi32>,
    %get3A_688 = arith.constant 6 : i32
    %get3A_689 = arith.index_cast %get3A_688 : i32 to index
    %get3A_690 = arith.constant 64 : index
    %get3A_691 = tpu.vector_load %arg5[%get3A_689, %get3A_690] {strides = array<i32>} : memref<12x128xi32, #tpu.memory_space<vmem>>, vector<1x16xi32>,
    %get3A_692 = vector.shape_cast %get3A_691 : vector<1x16xi32> to vector<16xi32>
    %add3A_693 = arith.addi %get3A_692, %add3A_43 : vector<16xi32>
    %swap3A_694 = arith.constant 6 : i32
    %swap3A_695 = arith.index_cast %swap3A_694 : i32 to index
    %swap3A_696 = arith.constant 64 : index
    %swap3A_697 = tpu.vector_load %arg5[%swap3A_695, %swap3A_696] {strides = array<i32>} : memref<12x128xi32, #tpu.memory_space<vmem>>, vector<1x16xi32>,
    %swap3A_698 = vector.shape_cast %swap3A_697 : vector<1x16xi32> to vector<16xi32>
    %swap3A_699 = vector.shape_cast %add3A_693 : vector<16xi32> to vector<1x16xi32>
    tpu.vector_store %arg5[%swap3A_695, %swap3A_696], %swap3A_699 {strides = array<i32>} : memref<12x128xi32, #tpu.memory_space<vmem>>, vector<1x16xi32>,
    %get3A_700 = arith.constant 6 : i32
    %get3A_701 = arith.index_cast %get3A_700 : i32 to index
    %get3A_702 = arith.constant 80 : index
    %get3A_703 = tpu.vector_load %arg5[%get3A_701, %get3A_702] {strides = array<i32>} : memref<12x128xi32, #tpu.memory_space<vmem>>, vector<1x16xi32>,
    %get3A_704 = vector.shape_cast %get3A_703 : vector<1x16xi32> to vector<16xi32>
    %add3A_705 = arith.addi %get3A_704, %add3A_65 : vector<16xi32>
    %swap3A_706 = arith.constant 6 : i32
    %swap3A_707 = arith.index_cast %swap3A_706 : i32 to index
    %swap3A_708 = arith.constant 80 : index
    %swap3A_709 = tpu.vector_load %arg5[%swap3A_707, %swap3A_708] {strides = array<i32>} : memref<12x128xi32, #tpu.memory_space<vmem>>, vector<1x16xi32>,
    %swap3A_710 = vector.shape_cast %swap3A_709 : vector<1x16xi32> to vector<16xi32>
    %swap3A_711 = vector.shape_cast %add3A_705 : vector<16xi32> to vector<1x16xi32>
    tpu.vector_store %arg5[%swap3A_707, %swap3A_708], %swap3A_711 {strides = array<i32>} : memref<12x128xi32, #tpu.memory_space<vmem>>, vector<1x16xi32>,
    %get3A_712 = arith.constant 6 : i32
    %get3A_713 = arith.index_cast %get3A_712 : i32 to index
    %get3A_714 = arith.constant 96 : index
    %get3A_715 = tpu.vector_load %arg5[%get3A_713, %get3A_714] {strides = array<i32>} : memref<12x128xi32, #tpu.memory_space<vmem>>, vector<1x16xi32>,
    %get3A_716 = vector.shape_cast %get3A_715 : vector<1x16xi32> to vector<16xi32>
    %add3A_717 = arith.addi %get3A_716, %add3A_21 : vector<16xi32>
    %swap3A_718 = arith.constant 6 : i32
    %swap3A_719 = arith.index_cast %swap3A_718 : i32 to index
    %swap3A_720 = arith.constant 96 : index
    %swap3A_721 = tpu.vector_load %arg5[%swap3A_719, %swap3A_720] {strides = array<i32>} : memref<12x128xi32, #tpu.memory_space<vmem>>, vector<1x16xi32>,
    %swap3A_722 = vector.shape_cast %swap3A_721 : vector<1x16xi32> to vector<16xi32>
    %swap3A_723 = vector.shape_cast %add3A_717 : vector<16xi32> to vector<1x16xi32>
    tpu.vector_store %arg5[%swap3A_719, %swap3A_720], %swap3A_723 {strides = array<i32>} : memref<12x128xi32, #tpu.memory_space<vmem>>, vector<1x16xi32>,
    %get3A_724 = arith.constant 6 : i32
    %get3A_725 = arith.index_cast %get3A_724 : i32 to index
    %get3A_726 = arith.constant 112 : index
    %get3A_727 = tpu.vector_load %arg5[%get3A_725, %get3A_726] {strides = array<i32>} : memref<12x128xi32, #tpu.memory_space<vmem>>, vector<1x16xi32>,
    %get3A_728 = vector.shape_cast %get3A_727 : vector<1x16xi32> to vector<16xi32>
    %add3A_729 = arith.addi %get3A_728, %add3A_43 : vector<16xi32>
    %swap3A_730 = arith.constant 6 : i32
    %swap3A_731 = arith.index_cast %swap3A_730 : i32 to index
    %swap3A_732 = arith.constant 112 : index
    %swap3A_733 = tpu.vector_load %arg5[%swap3A_731, %swap3A_732] {strides = array<i32>} : memref<12x128xi32, #tpu.memory_space<vmem>>, vector<1x16xi32>,
    %swap3A_734 = vector.shape_cast %swap3A_733 : vector<1x16xi32> to vector<16xi32>
    %swap3A_735 = vector.shape_cast %add3A_729 : vector<16xi32> to vector<1x16xi32>
    tpu.vector_store %arg5[%swap3A_731, %swap3A_732], %swap3A_735 {strides = array<i32>} : memref<12x128xi32, #tpu.memory_space<vmem>>, vector<1x16xi32>,
    %get3A_736 = arith.constant 7 : i32
    %get3A_737 = arith.index_cast %get3A_736 : i32 to index
    %get3A_738 = arith.constant 0 : index
    %get3A_739 = tpu.vector_load %arg5[%get3A_737, %get3A_738] {strides = array<i32>} : memref<12x128xi32, #tpu.memory_space<vmem>>, vector<1x16xi32>,
    %get3A_740 = vector.shape_cast %get3A_739 : vector<1x16xi32> to vector<16xi32>
    %add3A_741 = arith.addi %get3A_740, %add3A_65 : vector<16xi32>
    %swap3A_742 = arith.constant 7 : i32
    %swap3A_743 = arith.index_cast %swap3A_742 : i32 to index
    %swap3A_744 = arith.constant 0 : index
    %swap3A_745 = tpu.vector_load %arg5[%swap3A_743, %swap3A_744] {strides = array<i32>} : memref<12x128xi32, #tpu.memory_space<vmem>>, vector<1x16xi32>,
    %swap3A_746 = vector.shape_cast %swap3A_745 : vector<1x16xi32> to vector<16xi32>
    %swap3A_747 = vector.shape_cast %add3A_741 : vector<16xi32> to vector<1x16xi32>
    tpu.vector_store %arg5[%swap3A_743, %swap3A_744], %swap3A_747 {strides = array<i32>} : memref<12x128xi32, #tpu.memory_space<vmem>>, vector<1x16xi32>,
    %get3A_748 = arith.constant 7 : i32
    %get3A_749 = arith.index_cast %get3A_748 : i32 to index
    %get3A_750 = arith.constant 16 : index
    %get3A_751 = tpu.vector_load %arg5[%get3A_749, %get3A_750] {strides = array<i32>} : memref<12x128xi32, #tpu.memory_space<vmem>>, vector<1x16xi32>,
    %get3A_752 = vector.shape_cast %get3A_751 : vector<1x16xi32> to vector<16xi32>
    %add3A_753 = arith.addi %get3A_752, %add3A_21 : vector<16xi32>
    %swap3A_754 = arith.constant 7 : i32
    %swap3A_755 = arith.index_cast %swap3A_754 : i32 to index
    %swap3A_756 = arith.constant 16 : index
    %swap3A_757 = tpu.vector_load %arg5[%swap3A_755, %swap3A_756] {strides = array<i32>} : memref<12x128xi32, #tpu.memory_space<vmem>>, vector<1x16xi32>,
    %swap3A_758 = vector.shape_cast %swap3A_757 : vector<1x16xi32> to vector<16xi32>
    %swap3A_759 = vector.shape_cast %add3A_753 : vector<16xi32> to vector<1x16xi32>
    tpu.vector_store %arg5[%swap3A_755, %swap3A_756], %swap3A_759 {strides = array<i32>} : memref<12x128xi32, #tpu.memory_space<vmem>>, vector<1x16xi32>,
    %get3A_760 = arith.constant 7 : i32
    %get3A_761 = arith.index_cast %get3A_760 : i32 to index
    %get3A_762 = arith.constant 32 : index
    %get3A_763 = tpu.vector_load %arg5[%get3A_761, %get3A_762] {strides = array<i32>} : memref<12x128xi32, #tpu.memory_space<vmem>>, vector<1x16xi32>,
    %get3A_764 = vector.shape_cast %get3A_763 : vector<1x16xi32> to vector<16xi32>
    %add3A_765 = arith.addi %get3A_764, %add3A_43 : vector<16xi32>
    %swap3A_766 = arith.constant 7 : i32
    %swap3A_767 = arith.index_cast %swap3A_766 : i32 to index
    %swap3A_768 = arith.constant 32 : index
    %swap3A_769 = tpu.vector_load %arg5[%swap3A_767, %swap3A_768] {strides = array<i32>} : memref<12x128xi32, #tpu.memory_space<vmem>>, vector<1x16xi32>,
    %swap3A_770 = vector.shape_cast %swap3A_769 : vector<1x16xi32> to vector<16xi32>
    %swap3A_771 = vector.shape_cast %add3A_765 : vector<16xi32> to vector<1x16xi32>
    tpu.vector_store %arg5[%swap3A_767, %swap3A_768], %swap3A_771 {strides = array<i32>} : memref<12x128xi32, #tpu.memory_space<vmem>>, vector<1x16xi32>,
    %get3A_772 = arith.constant 7 : i32
    %get3A_773 = arith.index_cast %get3A_772 : i32 to index
    %get3A_774 = arith.constant 48 : index
    %get3A_775 = tpu.vector_load %arg5[%get3A_773, %get3A_774] {strides = array<i32>} : memref<12x128xi32, #tpu.memory_space<vmem>>, vector<1x16xi32>,
    %get3A_776 = vector.shape_cast %get3A_775 : vector<1x16xi32> to vector<16xi32>
    %add3A_777 = arith.addi %get3A_776, %add3A_65 : vector<16xi32>
    %swap3A_778 = arith.constant 7 : i32
    %swap3A_779 = arith.index_cast %swap3A_778 : i32 to index
    %swap3A_780 = arith.constant 48 : index
    %swap3A_781 = tpu.vector_load %arg5[%swap3A_779, %swap3A_780] {strides = array<i32>} : memref<12x128xi32, #tpu.memory_space<vmem>>, vector<1x16xi32>,
    %swap3A_782 = vector.shape_cast %swap3A_781 : vector<1x16xi32> to vector<16xi32>
    %swap3A_783 = vector.shape_cast %add3A_777 : vector<16xi32> to vector<1x16xi32>
    tpu.vector_store %arg5[%swap3A_779, %swap3A_780], %swap3A_783 {strides = array<i32>} : memref<12x128xi32, #tpu.memory_space<vmem>>, vector<1x16xi32>,
    %get3A_784 = arith.constant 7 : i32
    %get3A_785 = arith.index_cast %get3A_784 : i32 to index
    %get3A_786 = arith.constant 64 : index
    %get3A_787 = tpu.vector_load %arg5[%get3A_785, %get3A_786] {strides = array<i32>} : memref<12x128xi32, #tpu.memory_space<vmem>>, vector<1x16xi32>,
    %get3A_788 = vector.shape_cast %get3A_787 : vector<1x16xi32> to vector<16xi32>
    %add3A_789 = arith.addi %get3A_788, %add3A_21 : vector<16xi32>
    %swap3A_790 = arith.constant 7 : i32
    %swap3A_791 = arith.index_cast %swap3A_790 : i32 to index
    %swap3A_792 = arith.constant 64 : index
    %swap3A_793 = tpu.vector_load %arg5[%swap3A_791, %swap3A_792] {strides = array<i32>} : memref<12x128xi32, #tpu.memory_space<vmem>>, vector<1x16xi32>,
    %swap3A_794 = vector.shape_cast %swap3A_793 : vector<1x16xi32> to vector<16xi32>
    %swap3A_795 = vector.shape_cast %add3A_789 : vector<16xi32> to vector<1x16xi32>
    tpu.vector_store %arg5[%swap3A_791, %swap3A_792], %swap3A_795 {strides = array<i32>} : memref<12x128xi32, #tpu.memory_space<vmem>>, vector<1x16xi32>,
    %get3A_796 = arith.constant 7 : i32
    %get3A_797 = arith.index_cast %get3A_796 : i32 to index
    %get3A_798 = arith.constant 80 : index
    %get3A_799 = tpu.vector_load %arg5[%get3A_797, %get3A_798] {strides = array<i32>} : memref<12x128xi32, #tpu.memory_space<vmem>>, vector<1x16xi32>,
    %get3A_800 = vector.shape_cast %get3A_799 : vector<1x16xi32> to vector<16xi32>
    %add3A_801 = arith.addi %get3A_800, %add3A_43 : vector<16xi32>
    %swap3A_802 = arith.constant 7 : i32
    %swap3A_803 = arith.index_cast %swap3A_802 : i32 to index
    %swap3A_804 = arith.constant 80 : index
    %swap3A_805 = tpu.vector_load %arg5[%swap3A_803, %swap3A_804] {strides = array<i32>} : memref<12x128xi32, #tpu.memory_space<vmem>>, vector<1x16xi32>,
    %swap3A_806 = vector.shape_cast %swap3A_805 : vector<1x16xi32> to vector<16xi32>
    %swap3A_807 = vector.shape_cast %add3A_801 : vector<16xi32> to vector<1x16xi32>
    tpu.vector_store %arg5[%swap3A_803, %swap3A_804], %swap3A_807 {strides = array<i32>} : memref<12x128xi32, #tpu.memory_space<vmem>>, vector<1x16xi32>,
    %get3A_808 = arith.constant 7 : i32
    %get3A_809 = arith.index_cast %get3A_808 : i32 to index
    %get3A_810 = arith.constant 96 : index
    %get3A_811 = tpu.vector_load %arg5[%get3A_809, %get3A_810] {strides = array<i32>} : memref<12x128xi32, #tpu.memory_space<vmem>>, vector<1x16xi32>,
    %get3A_812 = vector.shape_cast %get3A_811 : vector<1x16xi32> to vector<16xi32>
    %add3A_813 = arith.addi %get3A_812, %add3A_65 : vector<16xi32>
    %swap3A_814 = arith.constant 7 : i32
    %swap3A_815 = arith.index_cast %swap3A_814 : i32 to index
    %swap3A_816 = arith.constant 96 : index
    %swap3A_817 = tpu.vector_load %arg5[%swap3A_815, %swap3A_816] {strides = array<i32>} : memref<12x128xi32, #tpu.memory_space<vmem>>, vector<1x16xi32>,
    %swap3A_818 = vector.shape_cast %swap3A_817 : vector<1x16xi32> to vector<16xi32>
    %swap3A_819 = vector.shape_cast %add3A_813 : vector<16xi32> to vector<1x16xi32>
    tpu.vector_store %arg5[%swap3A_815, %swap3A_816], %swap3A_819 {strides = array<i32>} : memref<12x128xi32, #tpu.memory_space<vmem>>, vector<1x16xi32>,
    %get3A_820 = arith.constant 7 : i32
    %get3A_821 = arith.index_cast %get3A_820 : i32 to index
    %get3A_822 = arith.constant 112 : index
    %get3A_823 = tpu.vector_load %arg5[%get3A_821, %get3A_822] {strides = array<i32>} : memref<12x128xi32, #tpu.memory_space<vmem>>, vector<1x16xi32>,
    %get3A_824 = vector.shape_cast %get3A_823 : vector<1x16xi32> to vector<16xi32>
    %add3A_825 = arith.addi %get3A_824, %add3A_21 : vector<16xi32>
    %swap3A_826 = arith.constant 7 : i32
    %swap3A_827 = arith.index_cast %swap3A_826 : i32 to index
    %swap3A_828 = arith.constant 112 : index
    %swap3A_829 = tpu.vector_load %arg5[%swap3A_827, %swap3A_828] {strides = array<i32>} : memref<12x128xi32, #tpu.memory_space<vmem>>, vector<1x16xi32>,
    %swap3A_830 = vector.shape_cast %swap3A_829 : vector<1x16xi32> to vector<16xi32>
    %swap3A_831 = vector.shape_cast %add3A_825 : vector<16xi32> to vector<1x16xi32>
    tpu.vector_store %arg5[%swap3A_827, %swap3A_828], %swap3A_831 {strides = array<i32>} : memref<12x128xi32, #tpu.memory_space<vmem>>, vector<1x16xi32>,
    %get3A_832 = arith.constant 8 : i32
    %get3A_833 = arith.index_cast %get3A_832 : i32 to index
    %get3A_834 = arith.constant 0 : index
    %get3A_835 = tpu.vector_load %arg5[%get3A_833, %get3A_834] {strides = array<i32>} : memref<12x128xi32, #tpu.memory_space<vmem>>, vector<1x16xi32>,
    %get3A_836 = vector.shape_cast %get3A_835 : vector<1x16xi32> to vector<16xi32>
    %add3A_837 = arith.addi %get3A_836, %add3A_43 : vector<16xi32>
    %swap3A_838 = arith.constant 8 : i32
    %swap3A_839 = arith.index_cast %swap3A_838 : i32 to index
    %swap3A_840 = arith.constant 0 : index
    %swap3A_841 = tpu.vector_load %arg5[%swap3A_839, %swap3A_840] {strides = array<i32>} : memref<12x128xi32, #tpu.memory_space<vmem>>, vector<1x16xi32>,
    %swap3A_842 = vector.shape_cast %swap3A_841 : vector<1x16xi32> to vector<16xi32>
    %swap3A_843 = vector.shape_cast %add3A_837 : vector<16xi32> to vector<1x16xi32>
    tpu.vector_store %arg5[%swap3A_839, %swap3A_840], %swap3A_843 {strides = array<i32>} : memref<12x128xi32, #tpu.memory_space<vmem>>, vector<1x16xi32>,
    %get3A_844 = arith.constant 8 : i32
    %get3A_845 = arith.index_cast %get3A_844 : i32 to index
    %get3A_846 = arith.constant 16 : index
    %get3A_847 = tpu.vector_load %arg5[%get3A_845, %get3A_846] {strides = array<i32>} : memref<12x128xi32, #tpu.memory_space<vmem>>, vector<1x16xi32>,
    %get3A_848 = vector.shape_cast %get3A_847 : vector<1x16xi32> to vector<16xi32>
    %add3A_849 = arith.addi %get3A_848, %add3A_65 : vector<16xi32>
    %swap3A_850 = arith.constant 8 : i32
    %swap3A_851 = arith.index_cast %swap3A_850 : i32 to index
    %swap3A_852 = arith.constant 16 : index
    %swap3A_853 = tpu.vector_load %arg5[%swap3A_851, %swap3A_852] {strides = array<i32>} : memref<12x128xi32, #tpu.memory_space<vmem>>, vector<1x16xi32>,
    %swap3A_854 = vector.shape_cast %swap3A_853 : vector<1x16xi32> to vector<16xi32>
    %swap3A_855 = vector.shape_cast %add3A_849 : vector<16xi32> to vector<1x16xi32>
    tpu.vector_store %arg5[%swap3A_851, %swap3A_852], %swap3A_855 {strides = array<i32>} : memref<12x128xi32, #tpu.memory_space<vmem>>, vector<1x16xi32>,
    %get3A_856 = arith.constant 8 : i32
    %get3A_857 = arith.index_cast %get3A_856 : i32 to index
    %get3A_858 = arith.constant 32 : index
    %get3A_859 = tpu.vector_load %arg5[%get3A_857, %get3A_858] {strides = array<i32>} : memref<12x128xi32, #tpu.memory_space<vmem>>, vector<1x16xi32>,
    %get3A_860 = vector.shape_cast %get3A_859 : vector<1x16xi32> to vector<16xi32>
    %add3A_861 = arith.addi %get3A_860, %add3A_21 : vector<16xi32>
    %swap3A_862 = arith.constant 8 : i32
    %swap3A_863 = arith.index_cast %swap3A_862 : i32 to index
    %swap3A_864 = arith.constant 32 : index
    %swap3A_865 = tpu.vector_load %arg5[%swap3A_863, %swap3A_864] {strides = array<i32>} : memref<12x128xi32, #tpu.memory_space<vmem>>, vector<1x16xi32>,
    %swap3A_866 = vector.shape_cast %swap3A_865 : vector<1x16xi32> to vector<16xi32>
    %swap3A_867 = vector.shape_cast %add3A_861 : vector<16xi32> to vector<1x16xi32>
    tpu.vector_store %arg5[%swap3A_863, %swap3A_864], %swap3A_867 {strides = array<i32>} : memref<12x128xi32, #tpu.memory_space<vmem>>, vector<1x16xi32>,
    %get3A_868 = arith.constant 8 : i32
    %get3A_869 = arith.index_cast %get3A_868 : i32 to index
    %get3A_870 = arith.constant 48 : index
    %get3A_871 = tpu.vector_load %arg5[%get3A_869, %get3A_870] {strides = array<i32>} : memref<12x128xi32, #tpu.memory_space<vmem>>, vector<1x16xi32>,
    %get3A_872 = vector.shape_cast %get3A_871 : vector<1x16xi32> to vector<16xi32>
    %add3A_873 = arith.addi %get3A_872, %add3A_43 : vector<16xi32>
    %swap3A_874 = arith.constant 8 : i32
    %swap3A_875 = arith.index_cast %swap3A_874 : i32 to index
    %swap3A_876 = arith.constant 48 : index
    %swap3A_877 = tpu.vector_load %arg5[%swap3A_875, %swap3A_876] {strides = array<i32>} : memref<12x128xi32, #tpu.memory_space<vmem>>, vector<1x16xi32>,
    %swap3A_878 = vector.shape_cast %swap3A_877 : vector<1x16xi32> to vector<16xi32>
    %swap3A_879 = vector.shape_cast %add3A_873 : vector<16xi32> to vector<1x16xi32>
    tpu.vector_store %arg5[%swap3A_875, %swap3A_876], %swap3A_879 {strides = array<i32>} : memref<12x128xi32, #tpu.memory_space<vmem>>, vector<1x16xi32>,
    %get3A_880 = arith.constant 8 : i32
    %get3A_881 = arith.index_cast %get3A_880 : i32 to index
    %get3A_882 = arith.constant 64 : index
    %get3A_883 = tpu.vector_load %arg5[%get3A_881, %get3A_882] {strides = array<i32>} : memref<12x128xi32, #tpu.memory_space<vmem>>, vector<1x16xi32>,
    %get3A_884 = vector.shape_cast %get3A_883 : vector<1x16xi32> to vector<16xi32>
    %add3A_885 = arith.addi %get3A_884, %add3A_65 : vector<16xi32>
    %swap3A_886 = arith.constant 8 : i32
    %swap3A_887 = arith.index_cast %swap3A_886 : i32 to index
    %swap3A_888 = arith.constant 64 : index
    %swap3A_889 = tpu.vector_load %arg5[%swap3A_887, %swap3A_888] {strides = array<i32>} : memref<12x128xi32, #tpu.memory_space<vmem>>, vector<1x16xi32>,
    %swap3A_890 = vector.shape_cast %swap3A_889 : vector<1x16xi32> to vector<16xi32>
    %swap3A_891 = vector.shape_cast %add3A_885 : vector<16xi32> to vector<1x16xi32>
    tpu.vector_store %arg5[%swap3A_887, %swap3A_888], %swap3A_891 {strides = array<i32>} : memref<12x128xi32, #tpu.memory_space<vmem>>, vector<1x16xi32>,
    %get3A_892 = arith.constant 8 : i32
    %get3A_893 = arith.index_cast %get3A_892 : i32 to index
    %get3A_894 = arith.constant 80 : index
    %get3A_895 = tpu.vector_load %arg5[%get3A_893, %get3A_894] {strides = array<i32>} : memref<12x128xi32, #tpu.memory_space<vmem>>, vector<1x16xi32>,
    %get3A_896 = vector.shape_cast %get3A_895 : vector<1x16xi32> to vector<16xi32>
    %add3A_897 = arith.addi %get3A_896, %add3A_21 : vector<16xi32>
    %swap3A_898 = arith.constant 8 : i32
    %swap3A_899 = arith.index_cast %swap3A_898 : i32 to index
    %swap3A_900 = arith.constant 80 : index
    %swap3A_901 = tpu.vector_load %arg5[%swap3A_899, %swap3A_900] {strides = array<i32>} : memref<12x128xi32, #tpu.memory_space<vmem>>, vector<1x16xi32>,
    %swap3A_902 = vector.shape_cast %swap3A_901 : vector<1x16xi32> to vector<16xi32>
    %swap3A_903 = vector.shape_cast %add3A_897 : vector<16xi32> to vector<1x16xi32>
    tpu.vector_store %arg5[%swap3A_899, %swap3A_900], %swap3A_903 {strides = array<i32>} : memref<12x128xi32, #tpu.memory_space<vmem>>, vector<1x16xi32>,
    %get3A_904 = arith.constant 8 : i32
    %get3A_905 = arith.index_cast %get3A_904 : i32 to index
    %get3A_906 = arith.constant 96 : index
    %get3A_907 = tpu.vector_load %arg5[%get3A_905, %get3A_906] {strides = array<i32>} : memref<12x128xi32, #tpu.memory_space<vmem>>, vector<1x16xi32>,
    %get3A_908 = vector.shape_cast %get3A_907 : vector<1x16xi32> to vector<16xi32>
    %add3A_909 = arith.addi %get3A_908, %add3A_43 : vector<16xi32>
    %swap3A_910 = arith.constant 8 : i32
    %swap3A_911 = arith.index_cast %swap3A_910 : i32 to index
    %swap3A_912 = arith.constant 96 : index
    %swap3A_913 = tpu.vector_load %arg5[%swap3A_911, %swap3A_912] {strides = array<i32>} : memref<12x128xi32, #tpu.memory_space<vmem>>, vector<1x16xi32>,
    %swap3A_914 = vector.shape_cast %swap3A_913 : vector<1x16xi32> to vector<16xi32>
    %swap3A_915 = vector.shape_cast %add3A_909 : vector<16xi32> to vector<1x16xi32>
    tpu.vector_store %arg5[%swap3A_911, %swap3A_912], %swap3A_915 {strides = array<i32>} : memref<12x128xi32, #tpu.memory_space<vmem>>, vector<1x16xi32>,
    %get3A_916 = arith.constant 8 : i32
    %get3A_917 = arith.index_cast %get3A_916 : i32 to index
    %get3A_918 = arith.constant 112 : index
    %get3A_919 = tpu.vector_load %arg5[%get3A_917, %get3A_918] {strides = array<i32>} : memref<12x128xi32, #tpu.memory_space<vmem>>, vector<1x16xi32>,
    %get3A_920 = vector.shape_cast %get3A_919 : vector<1x16xi32> to vector<16xi32>
    %add3A_921 = arith.addi %get3A_920, %add3A_65 : vector<16xi32>
    %swap3A_922 = arith.constant 8 : i32
    %swap3A_923 = arith.index_cast %swap3A_922 : i32 to index
    %swap3A_924 = arith.constant 112 : index
    %swap3A_925 = tpu.vector_load %arg5[%swap3A_923, %swap3A_924] {strides = array<i32>} : memref<12x128xi32, #tpu.memory_space<vmem>>, vector<1x16xi32>,
    %swap3A_926 = vector.shape_cast %swap3A_925 : vector<1x16xi32> to vector<16xi32>
    %swap3A_927 = vector.shape_cast %add3A_921 : vector<16xi32> to vector<1x16xi32>
    tpu.vector_store %arg5[%swap3A_923, %swap3A_924], %swap3A_927 {strides = array<i32>} : memref<12x128xi32, #tpu.memory_space<vmem>>, vector<1x16xi32>,
    %get3A_928 = arith.constant 9 : i32
    %get3A_929 = arith.index_cast %get3A_928 : i32 to index
    %get3A_930 = arith.constant 0 : index
    %get3A_931 = tpu.vector_load %arg5[%get3A_929, %get3A_930] {strides = array<i32>} : memref<12x128xi32, #tpu.memory_space<vmem>>, vector<1x16xi32>,
    %get3A_932 = vector.shape_cast %get3A_931 : vector<1x16xi32> to vector<16xi32>
    %add3A_933 = arith.addi %get3A_932, %add3A_21 : vector<16xi32>
    %swap3A_934 = arith.constant 9 : i32
    %swap3A_935 = arith.index_cast %swap3A_934 : i32 to index
    %swap3A_936 = arith.constant 0 : index
    %swap3A_937 = tpu.vector_load %arg5[%swap3A_935, %swap3A_936] {strides = array<i32>} : memref<12x128xi32, #tpu.memory_space<vmem>>, vector<1x16xi32>,
    %swap3A_938 = vector.shape_cast %swap3A_937 : vector<1x16xi32> to vector<16xi32>
    %swap3A_939 = vector.shape_cast %add3A_933 : vector<16xi32> to vector<1x16xi32>
    tpu.vector_store %arg5[%swap3A_935, %swap3A_936], %swap3A_939 {strides = array<i32>} : memref<12x128xi32, #tpu.memory_space<vmem>>, vector<1x16xi32>,
    %get3A_940 = arith.constant 9 : i32
    %get3A_941 = arith.index_cast %get3A_940 : i32 to index
    %get3A_942 = arith.constant 16 : index
    %get3A_943 = tpu.vector_load %arg5[%get3A_941, %get3A_942] {strides = array<i32>} : memref<12x128xi32, #tpu.memory_space<vmem>>, vector<1x16xi32>,
    %get3A_944 = vector.shape_cast %get3A_943 : vector<1x16xi32> to vector<16xi32>
    %add3A_945 = arith.addi %get3A_944, %add3A_43 : vector<16xi32>
    %swap3A_946 = arith.constant 9 : i32
    %swap3A_947 = arith.index_cast %swap3A_946 : i32 to index
    %swap3A_948 = arith.constant 16 : index
    %swap3A_949 = tpu.vector_load %arg5[%swap3A_947, %swap3A_948] {strides = array<i32>} : memref<12x128xi32, #tpu.memory_space<vmem>>, vector<1x16xi32>,
    %swap3A_950 = vector.shape_cast %swap3A_949 : vector<1x16xi32> to vector<16xi32>
    %swap3A_951 = vector.shape_cast %add3A_945 : vector<16xi32> to vector<1x16xi32>
    tpu.vector_store %arg5[%swap3A_947, %swap3A_948], %swap3A_951 {strides = array<i32>} : memref<12x128xi32, #tpu.memory_space<vmem>>, vector<1x16xi32>,
    %get3A_952 = arith.constant 9 : i32
    %get3A_953 = arith.index_cast %get3A_952 : i32 to index
    %get3A_954 = arith.constant 32 : index
    %get3A_955 = tpu.vector_load %arg5[%get3A_953, %get3A_954] {strides = array<i32>} : memref<12x128xi32, #tpu.memory_space<vmem>>, vector<1x16xi32>,
    %get3A_956 = vector.shape_cast %get3A_955 : vector<1x16xi32> to vector<16xi32>
    %add3A_957 = arith.addi %get3A_956, %add3A_65 : vector<16xi32>
    %swap3A_958 = arith.constant 9 : i32
    %swap3A_959 = arith.index_cast %swap3A_958 : i32 to index
    %swap3A_960 = arith.constant 32 : index
    %swap3A_961 = tpu.vector_load %arg5[%swap3A_959, %swap3A_960] {strides = array<i32>} : memref<12x128xi32, #tpu.memory_space<vmem>>, vector<1x16xi32>,
    %swap3A_962 = vector.shape_cast %swap3A_961 : vector<1x16xi32> to vector<16xi32>
    %swap3A_963 = vector.shape_cast %add3A_957 : vector<16xi32> to vector<1x16xi32>
    tpu.vector_store %arg5[%swap3A_959, %swap3A_960], %swap3A_963 {strides = array<i32>} : memref<12x128xi32, #tpu.memory_space<vmem>>, vector<1x16xi32>,
    %get3A_964 = arith.constant 9 : i32
    %get3A_965 = arith.index_cast %get3A_964 : i32 to index
    %get3A_966 = arith.constant 48 : index
    %get3A_967 = tpu.vector_load %arg5[%get3A_965, %get3A_966] {strides = array<i32>} : memref<12x128xi32, #tpu.memory_space<vmem>>, vector<1x16xi32>,
    %get3A_968 = vector.shape_cast %get3A_967 : vector<1x16xi32> to vector<16xi32>
    %add3A_969 = arith.addi %get3A_968, %add3A_21 : vector<16xi32>
    %swap3A_970 = arith.constant 9 : i32
    %swap3A_971 = arith.index_cast %swap3A_970 : i32 to index
    %swap3A_972 = arith.constant 48 : index
    %swap3A_973 = tpu.vector_load %arg5[%swap3A_971, %swap3A_972] {strides = array<i32>} : memref<12x128xi32, #tpu.memory_space<vmem>>, vector<1x16xi32>,
    %swap3A_974 = vector.shape_cast %swap3A_973 : vector<1x16xi32> to vector<16xi32>
    %swap3A_975 = vector.shape_cast %add3A_969 : vector<16xi32> to vector<1x16xi32>
    tpu.vector_store %arg5[%swap3A_971, %swap3A_972], %swap3A_975 {strides = array<i32>} : memref<12x128xi32, #tpu.memory_space<vmem>>, vector<1x16xi32>,
    %get3A_976 = arith.constant 9 : i32
    %get3A_977 = arith.index_cast %get3A_976 : i32 to index
    %get3A_978 = arith.constant 64 : index
    %get3A_979 = tpu.vector_load %arg5[%get3A_977, %get3A_978] {strides = array<i32>} : memref<12x128xi32, #tpu.memory_space<vmem>>, vector<1x16xi32>,
    %get3A_980 = vector.shape_cast %get3A_979 : vector<1x16xi32> to vector<16xi32>
    %add3A_981 = arith.addi %get3A_980, %add3A_43 : vector<16xi32>
    %swap3A_982 = arith.constant 9 : i32
    %swap3A_983 = arith.index_cast %swap3A_982 : i32 to index
    %swap3A_984 = arith.constant 64 : index
    %swap3A_985 = tpu.vector_load %arg5[%swap3A_983, %swap3A_984] {strides = array<i32>} : memref<12x128xi32, #tpu.memory_space<vmem>>, vector<1x16xi32>,
    %swap3A_986 = vector.shape_cast %swap3A_985 : vector<1x16xi32> to vector<16xi32>
    %swap3A_987 = vector.shape_cast %add3A_981 : vector<16xi32> to vector<1x16xi32>
    tpu.vector_store %arg5[%swap3A_983, %swap3A_984], %swap3A_987 {strides = array<i32>} : memref<12x128xi32, #tpu.memory_space<vmem>>, vector<1x16xi32>,
    %get3A_988 = arith.constant 9 : i32
    %get3A_989 = arith.index_cast %get3A_988 : i32 to index
    %get3A_990 = arith.constant 80 : index
    %get3A_991 = tpu.vector_load %arg5[%get3A_989, %get3A_990] {strides = array<i32>} : memref<12x128xi32, #tpu.memory_space<vmem>>, vector<1x16xi32>,
    %get3A_992 = vector.shape_cast %get3A_991 : vector<1x16xi32> to vector<16xi32>
    %add3A_993 = arith.addi %get3A_992, %add3A_65 : vector<16xi32>
    %swap3A_994 = arith.constant 9 : i32
    %swap3A_995 = arith.index_cast %swap3A_994 : i32 to index
    %swap3A_996 = arith.constant 80 : index
    %swap3A_997 = tpu.vector_load %arg5[%swap3A_995, %swap3A_996] {strides = array<i32>} : memref<12x128xi32, #tpu.memory_space<vmem>>, vector<1x16xi32>,
    %swap3A_998 = vector.shape_cast %swap3A_997 : vector<1x16xi32> to vector<16xi32>
    %swap3A_999 = vector.shape_cast %add3A_993 : vector<16xi32> to vector<1x16xi32>
    tpu.vector_store %arg5[%swap3A_995, %swap3A_996], %swap3A_999 {strides = array<i32>} : memref<12x128xi32, #tpu.memory_space<vmem>>, vector<1x16xi32>,
    %get3A_1000 = arith.constant 9 : i32
    %get3A_1001 = arith.index_cast %get3A_1000 : i32 to index
    %get3A_1002 = arith.constant 96 : index
    %get3A_1003 = tpu.vector_load %arg5[%get3A_1001, %get3A_1002] {strides = array<i32>} : memref<12x128xi32, #tpu.memory_space<vmem>>, vector<1x16xi32>,
    %get3A_1004 = vector.shape_cast %get3A_1003 : vector<1x16xi32> to vector<16xi32>
    %add3A_1005 = arith.addi %get3A_1004, %add3A_21 : vector<16xi32>
    %swap3A_1006 = arith.constant 9 : i32
    %swap3A_1007 = arith.index_cast %swap3A_1006 : i32 to index
    %swap3A_1008 = arith.constant 96 : index
    %swap3A_1009 = tpu.vector_load %arg5[%swap3A_1007, %swap3A_1008] {strides = array<i32>} : memref<12x128xi32, #tpu.memory_space<vmem>>, vector<1x16xi32>,
    %swap3A_1010 = vector.shape_cast %swap3A_1009 : vector<1x16xi32> to vector<16xi32>
    %swap3A_1011 = vector.shape_cast %add3A_1005 : vector<16xi32> to vector<1x16xi32>
    tpu.vector_store %arg5[%swap3A_1007, %swap3A_1008], %swap3A_1011 {strides = array<i32>} : memref<12x128xi32, #tpu.memory_space<vmem>>, vector<1x16xi32>,
    %get3A_1012 = arith.constant 9 : i32
    %get3A_1013 = arith.index_cast %get3A_1012 : i32 to index
    %get3A_1014 = arith.constant 112 : index
    %get3A_1015 = tpu.vector_load %arg5[%get3A_1013, %get3A_1014] {strides = array<i32>} : memref<12x128xi32, #tpu.memory_space<vmem>>, vector<1x16xi32>,
    %get3A_1016 = vector.shape_cast %get3A_1015 : vector<1x16xi32> to vector<16xi32>
    %add3A_1017 = arith.addi %get3A_1016, %add3A_43 : vector<16xi32>
    %swap3A_1018 = arith.constant 9 : i32
    %swap3A_1019 = arith.index_cast %swap3A_1018 : i32 to index
    %swap3A_1020 = arith.constant 112 : index
    %swap3A_1021 = tpu.vector_load %arg5[%swap3A_1019, %swap3A_1020] {strides = array<i32>} : memref<12x128xi32, #tpu.memory_space<vmem>>, vector<1x16xi32>,
    %swap3A_1022 = vector.shape_cast %swap3A_1021 : vector<1x16xi32> to vector<16xi32>
    %swap3A_1023 = vector.shape_cast %add3A_1017 : vector<16xi32> to vector<1x16xi32>
    tpu.vector_store %arg5[%swap3A_1019, %swap3A_1020], %swap3A_1023 {strides = array<i32>} : memref<12x128xi32, #tpu.memory_space<vmem>>, vector<1x16xi32>,
    %get3A_1024 = arith.constant 10 : i32
    %get3A_1025 = arith.index_cast %get3A_1024 : i32 to index
    %get3A_1026 = arith.constant 0 : index
    %get3A_1027 = tpu.vector_load %arg5[%get3A_1025, %get3A_1026] {strides = array<i32>} : memref<12x128xi32, #tpu.memory_space<vmem>>, vector<1x16xi32>,
    %get3A_1028 = vector.shape_cast %get3A_1027 : vector<1x16xi32> to vector<16xi32>
    %add3A_1029 = arith.addi %get3A_1028, %add3A_65 : vector<16xi32>
    %swap3A_1030 = arith.constant 10 : i32
    %swap3A_1031 = arith.index_cast %swap3A_1030 : i32 to index
    %swap3A_1032 = arith.constant 0 : index
    %swap3A_1033 = tpu.vector_load %arg5[%swap3A_1031, %swap3A_1032] {strides = array<i32>} : memref<12x128xi32, #tpu.memory_space<vmem>>, vector<1x16xi32>,
    %swap3A_1034 = vector.shape_cast %swap3A_1033 : vector<1x16xi32> to vector<16xi32>
    %swap3A_1035 = vector.shape_cast %add3A_1029 : vector<16xi32> to vector<1x16xi32>
    tpu.vector_store %arg5[%swap3A_1031, %swap3A_1032], %swap3A_1035 {strides = array<i32>} : memref<12x128xi32, #tpu.memory_space<vmem>>, vector<1x16xi32>,
    %get3A_1036 = arith.constant 10 : i32
    %get3A_1037 = arith.index_cast %get3A_1036 : i32 to index
    %get3A_1038 = arith.constant 16 : index
    %get3A_1039 = tpu.vector_load %arg5[%get3A_1037, %get3A_1038] {strides = array<i32>} : memref<12x128xi32, #tpu.memory_space<vmem>>, vector<1x16xi32>,
    %get3A_1040 = vector.shape_cast %get3A_1039 : vector<1x16xi32> to vector<16xi32>
    %add3A_1041 = arith.addi %get3A_1040, %add3A_21 : vector<16xi32>
    %swap3A_1042 = arith.constant 10 : i32
    %swap3A_1043 = arith.index_cast %swap3A_1042 : i32 to index
    %swap3A_1044 = arith.constant 16 : index
    %swap3A_1045 = tpu.vector_load %arg5[%swap3A_1043, %swap3A_1044] {strides = array<i32>} : memref<12x128xi32, #tpu.memory_space<vmem>>, vector<1x16xi32>,
    %swap3A_1046 = vector.shape_cast %swap3A_1045 : vector<1x16xi32> to vector<16xi32>
    %swap3A_1047 = vector.shape_cast %add3A_1041 : vector<16xi32> to vector<1x16xi32>
    tpu.vector_store %arg5[%swap3A_1043, %swap3A_1044], %swap3A_1047 {strides = array<i32>} : memref<12x128xi32, #tpu.memory_space<vmem>>, vector<1x16xi32>,
    %get3A_1048 = arith.constant 10 : i32
    %get3A_1049 = arith.index_cast %get3A_1048 : i32 to index
    %get3A_1050 = arith.constant 32 : index
    %get3A_1051 = tpu.vector_load %arg5[%get3A_1049, %get3A_1050] {strides = array<i32>} : memref<12x128xi32, #tpu.memory_space<vmem>>, vector<1x16xi32>,
    %get3A_1052 = vector.shape_cast %get3A_1051 : vector<1x16xi32> to vector<16xi32>
    %add3A_1053 = arith.addi %get3A_1052, %add3A_43 : vector<16xi32>
    %swap3A_1054 = arith.constant 10 : i32
    %swap3A_1055 = arith.index_cast %swap3A_1054 : i32 to index
    %swap3A_1056 = arith.constant 32 : index
    %swap3A_1057 = tpu.vector_load %arg5[%swap3A_1055, %swap3A_1056] {strides = array<i32>} : memref<12x128xi32, #tpu.memory_space<vmem>>, vector<1x16xi32>,
    %swap3A_1058 = vector.shape_cast %swap3A_1057 : vector<1x16xi32> to vector<16xi32>
    %swap3A_1059 = vector.shape_cast %add3A_1053 : vector<16xi32> to vector<1x16xi32>
    tpu.vector_store %arg5[%swap3A_1055, %swap3A_1056], %swap3A_1059 {strides = array<i32>} : memref<12x128xi32, #tpu.memory_space<vmem>>, vector<1x16xi32>,
    %get3A_1060 = arith.constant 10 : i32
    %get3A_1061 = arith.index_cast %get3A_1060 : i32 to index
    %get3A_1062 = arith.constant 48 : index
    %get3A_1063 = tpu.vector_load %arg5[%get3A_1061, %get3A_1062] {strides = array<i32>} : memref<12x128xi32, #tpu.memory_space<vmem>>, vector<1x16xi32>,
    %get3A_1064 = vector.shape_cast %get3A_1063 : vector<1x16xi32> to vector<16xi32>
    %add3A_1065 = arith.addi %get3A_1064, %add3A_65 : vector<16xi32>
    %swap3A_1066 = arith.constant 10 : i32
    %swap3A_1067 = arith.index_cast %swap3A_1066 : i32 to index
    %swap3A_1068 = arith.constant 48 : index
    %swap3A_1069 = tpu.vector_load %arg5[%swap3A_1067, %swap3A_1068] {strides = array<i32>} : memref<12x128xi32, #tpu.memory_space<vmem>>, vector<1x16xi32>,
    %swap3A_1070 = vector.shape_cast %swap3A_1069 : vector<1x16xi32> to vector<16xi32>
    %swap3A_1071 = vector.shape_cast %add3A_1065 : vector<16xi32> to vector<1x16xi32>
    tpu.vector_store %arg5[%swap3A_1067, %swap3A_1068], %swap3A_1071 {strides = array<i32>} : memref<12x128xi32, #tpu.memory_space<vmem>>, vector<1x16xi32>,
    %get3A_1072 = arith.constant 10 : i32
    %get3A_1073 = arith.index_cast %get3A_1072 : i32 to index
    %get3A_1074 = arith.constant 64 : index
    %get3A_1075 = tpu.vector_load %arg5[%get3A_1073, %get3A_1074] {strides = array<i32>} : memref<12x128xi32, #tpu.memory_space<vmem>>, vector<1x16xi32>,
    %get3A_1076 = vector.shape_cast %get3A_1075 : vector<1x16xi32> to vector<16xi32>
    %add3A_1077 = arith.addi %get3A_1076, %add3A_21 : vector<16xi32>
    %swap3A_1078 = arith.constant 10 : i32
    %swap3A_1079 = arith.index_cast %swap3A_1078 : i32 to index
    %swap3A_1080 = arith.constant 64 : index
    %swap3A_1081 = tpu.vector_load %arg5[%swap3A_1079, %swap3A_1080] {strides = array<i32>} : memref<12x128xi32, #tpu.memory_space<vmem>>, vector<1x16xi32>,
    %swap3A_1082 = vector.shape_cast %swap3A_1081 : vector<1x16xi32> to vector<16xi32>
    %swap3A_1083 = vector.shape_cast %add3A_1077 : vector<16xi32> to vector<1x16xi32>
    tpu.vector_store %arg5[%swap3A_1079, %swap3A_1080], %swap3A_1083 {strides = array<i32>} : memref<12x128xi32, #tpu.memory_space<vmem>>, vector<1x16xi32>,
    %get3A_1084 = arith.constant 10 : i32
    %get3A_1085 = arith.index_cast %get3A_1084 : i32 to index
    %get3A_1086 = arith.constant 80 : index
    %get3A_1087 = tpu.vector_load %arg5[%get3A_1085, %get3A_1086] {strides = array<i32>} : memref<12x128xi32, #tpu.memory_space<vmem>>, vector<1x16xi32>,
    %get3A_1088 = vector.shape_cast %get3A_1087 : vector<1x16xi32> to vector<16xi32>
    %add3A_1089 = arith.addi %get3A_1088, %add3A_43 : vector<16xi32>
    %swap3A_1090 = arith.constant 10 : i32
    %swap3A_1091 = arith.index_cast %swap3A_1090 : i32 to index
    %swap3A_1092 = arith.constant 80 : index
    %swap3A_1093 = tpu.vector_load %arg5[%swap3A_1091, %swap3A_1092] {strides = array<i32>} : memref<12x128xi32, #tpu.memory_space<vmem>>, vector<1x16xi32>,
    %swap3A_1094 = vector.shape_cast %swap3A_1093 : vector<1x16xi32> to vector<16xi32>
    %swap3A_1095 = vector.shape_cast %add3A_1089 : vector<16xi32> to vector<1x16xi32>
    tpu.vector_store %arg5[%swap3A_1091, %swap3A_1092], %swap3A_1095 {strides = array<i32>} : memref<12x128xi32, #tpu.memory_space<vmem>>, vector<1x16xi32>,
    %get3A_1096 = arith.constant 10 : i32
    %get3A_1097 = arith.index_cast %get3A_1096 : i32 to index
    %get3A_1098 = arith.constant 96 : index
    %get3A_1099 = tpu.vector_load %arg5[%get3A_1097, %get3A_1098] {strides = array<i32>} : memref<12x128xi32, #tpu.memory_space<vmem>>, vector<1x16xi32>,
    %get3A_1100 = vector.shape_cast %get3A_1099 : vector<1x16xi32> to vector<16xi32>
    %add3A_1101 = arith.addi %get3A_1100, %add3A_65 : vector<16xi32>
    %swap3A_1102 = arith.constant 10 : i32
    %swap3A_1103 = arith.index_cast %swap3A_1102 : i32 to index
    %swap3A_1104 = arith.constant 96 : index
    %swap3A_1105 = tpu.vector_load %arg5[%swap3A_1103, %swap3A_1104] {strides = array<i32>} : memref<12x128xi32, #tpu.memory_space<vmem>>, vector<1x16xi32>,
    %swap3A_1106 = vector.shape_cast %swap3A_1105 : vector<1x16xi32> to vector<16xi32>
    %swap3A_1107 = vector.shape_cast %add3A_1101 : vector<16xi32> to vector<1x16xi32>
    tpu.vector_store %arg5[%swap3A_1103, %swap3A_1104], %swap3A_1107 {strides = array<i32>} : memref<12x128xi32, #tpu.memory_space<vmem>>, vector<1x16xi32>,
    %get3A_1108 = arith.constant 10 : i32
    %get3A_1109 = arith.index_cast %get3A_1108 : i32 to index
    %get3A_1110 = arith.constant 112 : index
    %get3A_1111 = tpu.vector_load %arg5[%get3A_1109, %get3A_1110] {strides = array<i32>} : memref<12x128xi32, #tpu.memory_space<vmem>>, vector<1x16xi32>,
    %get3A_1112 = vector.shape_cast %get3A_1111 : vector<1x16xi32> to vector<16xi32>
    %add3A_1113 = arith.addi %get3A_1112, %add3A_21 : vector<16xi32>
    %swap3A_1114 = arith.constant 10 : i32
    %swap3A_1115 = arith.index_cast %swap3A_1114 : i32 to index
    %swap3A_1116 = arith.constant 112 : index
    %swap3A_1117 = tpu.vector_load %arg5[%swap3A_1115, %swap3A_1116] {strides = array<i32>} : memref<12x128xi32, #tpu.memory_space<vmem>>, vector<1x16xi32>,
    %swap3A_1118 = vector.shape_cast %swap3A_1117 : vector<1x16xi32> to vector<16xi32>
    %swap3A_1119 = vector.shape_cast %add3A_1113 : vector<16xi32> to vector<1x16xi32>
    tpu.vector_store %arg5[%swap3A_1115, %swap3A_1116], %swap3A_1119 {strides = array<i32>} : memref<12x128xi32, #tpu.memory_space<vmem>>, vector<1x16xi32>,
    %get3A_1120 = arith.constant 11 : i32
    %get3A_1121 = arith.index_cast %get3A_1120 : i32 to index
    %get3A_1122 = arith.constant 0 : index
    %get3A_1123 = tpu.vector_load %arg5[%get3A_1121, %get3A_1122] {strides = array<i32>} : memref<12x128xi32, #tpu.memory_space<vmem>>, vector<1x16xi32>,
    %get3A_1124 = vector.shape_cast %get3A_1123 : vector<1x16xi32> to vector<16xi32>
    %add3A_1125 = arith.addi %get3A_1124, %add3A_43 : vector<16xi32>
    %swap3A_1126 = arith.constant 11 : i32
    %swap3A_1127 = arith.index_cast %swap3A_1126 : i32 to index
    %swap3A_1128 = arith.constant 0 : index
    %swap3A_1129 = tpu.vector_load %arg5[%swap3A_1127, %swap3A_1128] {strides = array<i32>} : memref<12x128xi32, #tpu.memory_space<vmem>>, vector<1x16xi32>,
    %swap3A_1130 = vector.shape_cast %swap3A_1129 : vector<1x16xi32> to vector<16xi32>
    %swap3A_1131 = vector.shape_cast %add3A_1125 : vector<16xi32> to vector<1x16xi32>
    tpu.vector_store %arg5[%swap3A_1127, %swap3A_1128], %swap3A_1131 {strides = array<i32>} : memref<12x128xi32, #tpu.memory_space<vmem>>, vector<1x16xi32>,
    %get3A_1132 = arith.constant 11 : i32
    %get3A_1133 = arith.index_cast %get3A_1132 : i32 to index
    %get3A_1134 = arith.constant 16 : index
    %get3A_1135 = tpu.vector_load %arg5[%get3A_1133, %get3A_1134] {strides = array<i32>} : memref<12x128xi32, #tpu.memory_space<vmem>>, vector<1x16xi32>,
    %get3A_1136 = vector.shape_cast %get3A_1135 : vector<1x16xi32> to vector<16xi32>
    %add3A_1137 = arith.addi %get3A_1136, %add3A_65 : vector<16xi32>
    %swap3A_1138 = arith.constant 11 : i32
    %swap3A_1139 = arith.index_cast %swap3A_1138 : i32 to index
    %swap3A_1140 = arith.constant 16 : index
    %swap3A_1141 = tpu.vector_load %arg5[%swap3A_1139, %swap3A_1140] {strides = array<i32>} : memref<12x128xi32, #tpu.memory_space<vmem>>, vector<1x16xi32>,
    %swap3A_1142 = vector.shape_cast %swap3A_1141 : vector<1x16xi32> to vector<16xi32>
    %swap3A_1143 = vector.shape_cast %add3A_1137 : vector<16xi32> to vector<1x16xi32>
    tpu.vector_store %arg5[%swap3A_1139, %swap3A_1140], %swap3A_1143 {strides = array<i32>} : memref<12x128xi32, #tpu.memory_space<vmem>>, vector<1x16xi32>,
    %get3A_1144 = arith.constant 11 : i32
    %get3A_1145 = arith.index_cast %get3A_1144 : i32 to index
    %get3A_1146 = arith.constant 32 : index
    %get3A_1147 = tpu.vector_load %arg5[%get3A_1145, %get3A_1146] {strides = array<i32>} : memref<12x128xi32, #tpu.memory_space<vmem>>, vector<1x16xi32>,
    %get3A_1148 = vector.shape_cast %get3A_1147 : vector<1x16xi32> to vector<16xi32>
    %add3A_1149 = arith.addi %get3A_1148, %add3A_21 : vector<16xi32>
    %swap3A_1150 = arith.constant 11 : i32
    %swap3A_1151 = arith.index_cast %swap3A_1150 : i32 to index
    %swap3A_1152 = arith.constant 32 : index
    %swap3A_1153 = tpu.vector_load %arg5[%swap3A_1151, %swap3A_1152] {strides = array<i32>} : memref<12x128xi32, #tpu.memory_space<vmem>>, vector<1x16xi32>,
    %swap3A_1154 = vector.shape_cast %swap3A_1153 : vector<1x16xi32> to vector<16xi32>
    %swap3A_1155 = vector.shape_cast %add3A_1149 : vector<16xi32> to vector<1x16xi32>
    tpu.vector_store %arg5[%swap3A_1151, %swap3A_1152], %swap3A_1155 {strides = array<i32>} : memref<12x128xi32, #tpu.memory_space<vmem>>, vector<1x16xi32>,
    %get3A_1156 = arith.constant 11 : i32
    %get3A_1157 = arith.index_cast %get3A_1156 : i32 to index
    %get3A_1158 = arith.constant 48 : index
    %get3A_1159 = tpu.vector_load %arg5[%get3A_1157, %get3A_1158] {strides = array<i32>} : memref<12x128xi32, #tpu.memory_space<vmem>>, vector<1x16xi32>,
    %get3A_1160 = vector.shape_cast %get3A_1159 : vector<1x16xi32> to vector<16xi32>
    %add3A_1161 = arith.addi %get3A_1160, %add3A_43 : vector<16xi32>
    %swap3A_1162 = arith.constant 11 : i32
    %swap3A_1163 = arith.index_cast %swap3A_1162 : i32 to index
    %swap3A_1164 = arith.constant 48 : index
    %swap3A_1165 = tpu.vector_load %arg5[%swap3A_1163, %swap3A_1164] {strides = array<i32>} : memref<12x128xi32, #tpu.memory_space<vmem>>, vector<1x16xi32>,
    %swap3A_1166 = vector.shape_cast %swap3A_1165 : vector<1x16xi32> to vector<16xi32>
    %swap3A_1167 = vector.shape_cast %add3A_1161 : vector<16xi32> to vector<1x16xi32>
    tpu.vector_store %arg5[%swap3A_1163, %swap3A_1164], %swap3A_1167 {strides = array<i32>} : memref<12x128xi32, #tpu.memory_space<vmem>>, vector<1x16xi32>,
    %get3A_1168 = arith.constant 11 : i32
    %get3A_1169 = arith.index_cast %get3A_1168 : i32 to index
    %get3A_1170 = arith.constant 64 : index
    %get3A_1171 = tpu.vector_load %arg5[%get3A_1169, %get3A_1170] {strides = array<i32>} : memref<12x128xi32, #tpu.memory_space<vmem>>, vector<1x16xi32>,
    %get3A_1172 = vector.shape_cast %get3A_1171 : vector<1x16xi32> to vector<16xi32>
    %add3A_1173 = arith.addi %get3A_1172, %add3A_65 : vector<16xi32>
    %swap3A_1174 = arith.constant 11 : i32
    %swap3A_1175 = arith.index_cast %swap3A_1174 : i32 to index
    %swap3A_1176 = arith.constant 64 : index
    %swap3A_1177 = tpu.vector_load %arg5[%swap3A_1175, %swap3A_1176] {strides = array<i32>} : memref<12x128xi32, #tpu.memory_space<vmem>>, vector<1x16xi32>,
    %swap3A_1178 = vector.shape_cast %swap3A_1177 : vector<1x16xi32> to vector<16xi32>
    %swap3A_1179 = vector.shape_cast %add3A_1173 : vector<16xi32> to vector<1x16xi32>
    tpu.vector_store %arg5[%swap3A_1175, %swap3A_1176], %swap3A_1179 {strides = array<i32>} : memref<12x128xi32, #tpu.memory_space<vmem>>, vector<1x16xi32>,
    %get3A_1180 = arith.constant 11 : i32
    %get3A_1181 = arith.index_cast %get3A_1180 : i32 to index
    %get3A_1182 = arith.constant 80 : index
    %get3A_1183 = tpu.vector_load %arg5[%get3A_1181, %get3A_1182] {strides = array<i32>} : memref<12x128xi32, #tpu.memory_space<vmem>>, vector<1x16xi32>,
    %get3A_1184 = vector.shape_cast %get3A_1183 : vector<1x16xi32> to vector<16xi32>
    %add3A_1185 = arith.addi %get3A_1184, %add3A_21 : vector<16xi32>
    %swap3A_1186 = arith.constant 11 : i32
    %swap3A_1187 = arith.index_cast %swap3A_1186 : i32 to index
    %swap3A_1188 = arith.constant 80 : index
    %swap3A_1189 = tpu.vector_load %arg5[%swap3A_1187, %swap3A_1188] {strides = array<i32>} : memref<12x128xi32, #tpu.memory_space<vmem>>, vector<1x16xi32>,
    %swap3A_1190 = vector.shape_cast %swap3A_1189 : vector<1x16xi32> to vector<16xi32>
    %swap3A_1191 = vector.shape_cast %add3A_1185 : vector<16xi32> to vector<1x16xi32>
    tpu.vector_store %arg5[%swap3A_1187, %swap3A_1188], %swap3A_1191 {strides = array<i32>} : memref<12x128xi32, #tpu.memory_space<vmem>>, vector<1x16xi32>,
    %get3A_1192 = arith.constant 11 : i32
    %get3A_1193 = arith.index_cast %get3A_1192 : i32 to index
    %get3A_1194 = arith.constant 96 : index
    %get3A_1195 = tpu.vector_load %arg5[%get3A_1193, %get3A_1194] {strides = array<i32>} : memref<12x128xi32, #tpu.memory_space<vmem>>, vector<1x16xi32>,
    %get3A_1196 = vector.shape_cast %get3A_1195 : vector<1x16xi32> to vector<16xi32>
    %add3A_1197 = arith.addi %get3A_1196, %add3A_43 : vector<16xi32>
    %swap3A_1198 = arith.constant 11 : i32
    %swap3A_1199 = arith.index_cast %swap3A_1198 : i32 to index
    %swap3A_1200 = arith.constant 96 : index
    %swap3A_1201 = tpu.vector_load %arg5[%swap3A_1199, %swap3A_1200] {strides = array<i32>} : memref<12x128xi32, #tpu.memory_space<vmem>>, vector<1x16xi32>,
    %swap3A_1202 = vector.shape_cast %swap3A_1201 : vector<1x16xi32> to vector<16xi32>
    %swap3A_1203 = vector.shape_cast %add3A_1197 : vector<16xi32> to vector<1x16xi32>
    tpu.vector_store %arg5[%swap3A_1199, %swap3A_1200], %swap3A_1203 {strides = array<i32>} : memref<12x128xi32, #tpu.memory_space<vmem>>, vector<1x16xi32>,
    %get3A_1204 = arith.constant 11 : i32
    %get3A_1205 = arith.index_cast %get3A_1204 : i32 to index
    %get3A_1206 = arith.constant 112 : index
    %get3A_1207 = tpu.vector_load %arg5[%get3A_1205, %get3A_1206] {strides = array<i32>} : memref<12x128xi32, #tpu.memory_space<vmem>>, vector<1x16xi32>,
    %get3A_1208 = vector.shape_cast %get3A_1207 : vector<1x16xi32> to vector<16xi32>
    %add3A_1209 = arith.addi %get3A_1208, %add3A_65 : vector<16xi32>
    %swap3A_1210 = arith.constant 11 : i32
    %swap3A_1211 = arith.index_cast %swap3A_1210 : i32 to index
    %swap3A_1212 = arith.constant 112 : index
    %swap3A_1213 = tpu.vector_load %arg5[%swap3A_1211, %swap3A_1212] {strides = array<i32>} : memref<12x128xi32, #tpu.memory_space<vmem>>, vector<1x16xi32>,
    %swap3A_1214 = vector.shape_cast %swap3A_1213 : vector<1x16xi32> to vector<16xi32>
    %swap3A_1215 = vector.shape_cast %add3A_1209 : vector<16xi32> to vector<1x16xi32>
    tpu.vector_store %arg5[%swap3A_1211, %swap3A_1212], %swap3A_1215 {strides = array<i32>} : memref<12x128xi32, #tpu.memory_space<vmem>>, vector<1x16xi32>,
    %dma_start3A = arith.constant 0 : i32
    %dma_start3A_1216 = arith.constant 0 : i32
    %dma_start3A_1217 = arith.constant 0 : i32
    %dma_start3A_1218 = tpu.memref_slice %arg7[%dma_start3A_1216, %dma_start3A_1217] : memref<1536x64xf32, #tpu.memory_space<vmem>> -> memref<128x64xf32, #tpu.memory_space<vmem>>
    %dma_start3A_1219 = arith.constant 0 : i32
    %dma_start3A_1220 = tpu.memref_slice %arg5[%dma_start3A, %dma_start3A_1219] : memref<12x128xi32, #tpu.memory_space<vmem>> -> memref<1x128xi32, #tpu.memory_space<vmem>>
    %dma_start3A_1221 = tpu.memref_squeeze %dma_start3A_1220 : memref<1x128xi32, #tpu.memory_space<vmem>> -> memref<128xi32, #tpu.memory_space<vmem>>
    %dma_start3A_1222 = arith.constant 0 : i32
    %dma_start3A_1223 = arith.constant 0 : i32
    %dma_start3A_1224 = tpu.memref_slice %arg8[%dma_start3A_1222, %dma_start3A_1223] : memref<960x64xf32, #tpu.memory_space<hbm>> -> memref<960x64xf32, #tpu.memory_space<hbm>>
    tpu.enqueue_indirect_dma source(%dma_start3A_1224 : memref<960x64xf32, #tpu.memory_space<hbm>>) target(%dma_start3A_1218 : memref<128x64xf32, #tpu.memory_space<vmem>>) offsets(%dma_start3A_1221 : memref<128xi32, #tpu.memory_space<vmem>>) semaphore(%arg9 : memref<!tpu.dma_semaphore, #tpu.memory_space<semaphore_mem>>)
    %dma_start3A_1225 = arith.constant 1 : i32
    %dma_start3A_1226 = arith.constant 128 : i32
    %dma_start3A_1227 = arith.constant 0 : i32
    %dma_start3A_1228 = tpu.memref_slice %arg7[%dma_start3A_1226, %dma_start3A_1227] : memref<1536x64xf32, #tpu.memory_space<vmem>> -> memref<128x64xf32, #tpu.memory_space<vmem>>
    %dma_start3A_1229 = arith.constant 0 : i32
    %dma_start3A_1230 = tpu.memref_slice %arg5[%dma_start3A_1225, %dma_start3A_1229] : memref<12x128xi32, #tpu.memory_space<vmem>> -> memref<1x128xi32, #tpu.memory_space<vmem>>
    %dma_start3A_1231 = tpu.memref_squeeze %dma_start3A_1230 : memref<1x128xi32, #tpu.memory_space<vmem>> -> memref<128xi32, #tpu.memory_space<vmem>>
    %dma_start3A_1232 = arith.constant 0 : i32
    %dma_start3A_1233 = arith.constant 0 : i32
    %dma_start3A_1234 = tpu.memref_slice %arg8[%dma_start3A_1232, %dma_start3A_1233] : memref<960x64xf32, #tpu.memory_space<hbm>> -> memref<960x64xf32, #tpu.memory_space<hbm>>
    tpu.enqueue_indirect_dma source(%dma_start3A_1234 : memref<960x64xf32, #tpu.memory_space<hbm>>) target(%dma_start3A_1228 : memref<128x64xf32, #tpu.memory_space<vmem>>) offsets(%dma_start3A_1231 : memref<128xi32, #tpu.memory_space<vmem>>) semaphore(%arg9 : memref<!tpu.dma_semaphore, #tpu.memory_space<semaphore_mem>>)
    %dma_start3A_1235 = arith.constant 2 : i32
    %dma_start3A_1236 = arith.constant 256 : i32
    %dma_start3A_1237 = arith.constant 0 : i32
    %dma_start3A_1238 = tpu.memref_slice %arg7[%dma_start3A_1236, %dma_start3A_1237] : memref<1536x64xf32, #tpu.memory_space<vmem>> -> memref<128x64xf32, #tpu.memory_space<vmem>>
    %dma_start3A_1239 = arith.constant 0 : i32
    %dma_start3A_1240 = tpu.memref_slice %arg5[%dma_start3A_1235, %dma_start3A_1239] : memref<12x128xi32, #tpu.memory_space<vmem>> -> memref<1x128xi32, #tpu.memory_space<vmem>>
    %dma_start3A_1241 = tpu.memref_squeeze %dma_start3A_1240 : memref<1x128xi32, #tpu.memory_space<vmem>> -> memref<128xi32, #tpu.memory_space<vmem>>
    %dma_start3A_1242 = arith.constant 0 : i32
    %dma_start3A_1243 = arith.constant 0 : i32
    %dma_start3A_1244 = tpu.memref_slice %arg8[%dma_start3A_1242, %dma_start3A_1243] : memref<960x64xf32, #tpu.memory_space<hbm>> -> memref<960x64xf32, #tpu.memory_space<hbm>>
    tpu.enqueue_indirect_dma source(%dma_start3A_1244 : memref<960x64xf32, #tpu.memory_space<hbm>>) target(%dma_start3A_1238 : memref<128x64xf32, #tpu.memory_space<vmem>>) offsets(%dma_start3A_1241 : memref<128xi32, #tpu.memory_space<vmem>>) semaphore(%arg9 : memref<!tpu.dma_semaphore, #tpu.memory_space<semaphore_mem>>)
    %dma_start3A_1245 = arith.constant 3 : i32
    %dma_start3A_1246 = arith.constant 384 : i32
    %dma_start3A_1247 = arith.constant 0 : i32
    %dma_start3A_1248 = tpu.memref_slice %arg7[%dma_start3A_1246, %dma_start3A_1247] : memref<1536x64xf32, #tpu.memory_space<vmem>> -> memref<128x64xf32, #tpu.memory_space<vmem>>
    %dma_start3A_1249 = arith.constant 0 : i32
    %dma_start3A_1250 = tpu.memref_slice %arg5[%dma_start3A_1245, %dma_start3A_1249] : memref<12x128xi32, #tpu.memory_space<vmem>> -> memref<1x128xi32, #tpu.memory_space<vmem>>
    %dma_start3A_1251 = tpu.memref_squeeze %dma_start3A_1250 : memref<1x128xi32, #tpu.memory_space<vmem>> -> memref<128xi32, #tpu.memory_space<vmem>>
    %dma_start3A_1252 = arith.constant 0 : i32
    %dma_start3A_1253 = arith.constant 0 : i32
    %dma_start3A_1254 = tpu.memref_slice %arg8[%dma_start3A_1252, %dma_start3A_1253] : memref<960x64xf32, #tpu.memory_space<hbm>> -> memref<960x64xf32, #tpu.memory_space<hbm>>
    tpu.enqueue_indirect_dma source(%dma_start3A_1254 : memref<960x64xf32, #tpu.memory_space<hbm>>) target(%dma_start3A_1248 : memref<128x64xf32, #tpu.memory_space<vmem>>) offsets(%dma_start3A_1251 : memref<128xi32, #tpu.memory_space<vmem>>) semaphore(%arg9 : memref<!tpu.dma_semaphore, #tpu.memory_space<semaphore_mem>>)
    %dma_start3A_1255 = arith.constant 4 : i32
    %dma_start3A_1256 = arith.constant 512 : i32
    %dma_start3A_1257 = arith.constant 0 : i32
    %dma_start3A_1258 = tpu.memref_slice %arg7[%dma_start3A_1256, %dma_start3A_1257] : memref<1536x64xf32, #tpu.memory_space<vmem>> -> memref<128x64xf32, #tpu.memory_space<vmem>>
    %dma_start3A_1259 = arith.constant 0 : i32
    %dma_start3A_1260 = tpu.memref_slice %arg5[%dma_start3A_1255, %dma_start3A_1259] : memref<12x128xi32, #tpu.memory_space<vmem>> -> memref<1x128xi32, #tpu.memory_space<vmem>>
    %dma_start3A_1261 = tpu.memref_squeeze %dma_start3A_1260 : memref<1x128xi32, #tpu.memory_space<vmem>> -> memref<128xi32, #tpu.memory_space<vmem>>
    %dma_start3A_1262 = arith.constant 0 : i32
    %dma_start3A_1263 = arith.constant 0 : i32
    %dma_start3A_1264 = tpu.memref_slice %arg8[%dma_start3A_1262, %dma_start3A_1263] : memref<960x64xf32, #tpu.memory_space<hbm>> -> memref<960x64xf32, #tpu.memory_space<hbm>>
    tpu.enqueue_indirect_dma source(%dma_start3A_1264 : memref<960x64xf32, #tpu.memory_space<hbm>>) target(%dma_start3A_1258 : memref<128x64xf32, #tpu.memory_space<vmem>>) offsets(%dma_start3A_1261 : memref<128xi32, #tpu.memory_space<vmem>>) semaphore(%arg9 : memref<!tpu.dma_semaphore, #tpu.memory_space<semaphore_mem>>)
    %dma_start3A_1265 = arith.constant 5 : i32
    %dma_start3A_1266 = arith.constant 640 : i32
    %dma_start3A_1267 = arith.constant 0 : i32
    %dma_start3A_1268 = tpu.memref_slice %arg7[%dma_start3A_1266, %dma_start3A_1267] : memref<1536x64xf32, #tpu.memory_space<vmem>> -> memref<128x64xf32, #tpu.memory_space<vmem>>
    %dma_start3A_1269 = arith.constant 0 : i32
    %dma_start3A_1270 = tpu.memref_slice %arg5[%dma_start3A_1265, %dma_start3A_1269] : memref<12x128xi32, #tpu.memory_space<vmem>> -> memref<1x128xi32, #tpu.memory_space<vmem>>
    %dma_start3A_1271 = tpu.memref_squeeze %dma_start3A_1270 : memref<1x128xi32, #tpu.memory_space<vmem>> -> memref<128xi32, #tpu.memory_space<vmem>>
    %dma_start3A_1272 = arith.constant 0 : i32
    %dma_start3A_1273 = arith.constant 0 : i32
    %dma_start3A_1274 = tpu.memref_slice %arg8[%dma_start3A_1272, %dma_start3A_1273] : memref<960x64xf32, #tpu.memory_space<hbm>> -> memref<960x64xf32, #tpu.memory_space<hbm>>
    tpu.enqueue_indirect_dma source(%dma_start3A_1274 : memref<960x64xf32, #tpu.memory_space<hbm>>) target(%dma_start3A_1268 : memref<128x64xf32, #tpu.memory_space<vmem>>) offsets(%dma_start3A_1271 : memref<128xi32, #tpu.memory_space<vmem>>) semaphore(%arg9 : memref<!tpu.dma_semaphore, #tpu.memory_space<semaphore_mem>>)
    %dma_start3A_1275 = arith.constant 6 : i32
    %dma_start3A_1276 = arith.constant 768 : i32
    %dma_start3A_1277 = arith.constant 0 : i32
    %dma_start3A_1278 = tpu.memref_slice %arg7[%dma_start3A_1276, %dma_start3A_1277] : memref<1536x64xf32, #tpu.memory_space<vmem>> -> memref<128x64xf32, #tpu.memory_space<vmem>>
    %dma_start3A_1279 = arith.constant 0 : i32
    %dma_start3A_1280 = tpu.memref_slice %arg5[%dma_start3A_1275, %dma_start3A_1279] : memref<12x128xi32, #tpu.memory_space<vmem>> -> memref<1x128xi32, #tpu.memory_space<vmem>>
    %dma_start3A_1281 = tpu.memref_squeeze %dma_start3A_1280 : memref<1x128xi32, #tpu.memory_space<vmem>> -> memref<128xi32, #tpu.memory_space<vmem>>
    %dma_start3A_1282 = arith.constant 0 : i32
    %dma_start3A_1283 = arith.constant 0 : i32
    %dma_start3A_1284 = tpu.memref_slice %arg8[%dma_start3A_1282, %dma_start3A_1283] : memref<960x64xf32, #tpu.memory_space<hbm>> -> memref<960x64xf32, #tpu.memory_space<hbm>>
    tpu.enqueue_indirect_dma source(%dma_start3A_1284 : memref<960x64xf32, #tpu.memory_space<hbm>>) target(%dma_start3A_1278 : memref<128x64xf32, #tpu.memory_space<vmem>>) offsets(%dma_start3A_1281 : memref<128xi32, #tpu.memory_space<vmem>>) semaphore(%arg10 : memref<!tpu.dma_semaphore, #tpu.memory_space<semaphore_mem>>)
    %dma_start3A_1285 = arith.constant 7 : i32
    %dma_start3A_1286 = arith.constant 896 : i32
    %dma_start3A_1287 = arith.constant 0 : i32
    %dma_start3A_1288 = tpu.memref_slice %arg7[%dma_start3A_1286, %dma_start3A_1287] : memref<1536x64xf32, #tpu.memory_space<vmem>> -> memref<128x64xf32, #tpu.memory_space<vmem>>
    %dma_start3A_1289 = arith.constant 0 : i32
    %dma_start3A_1290 = tpu.memref_slice %arg5[%dma_start3A_1285, %dma_start3A_1289] : memref<12x128xi32, #tpu.memory_space<vmem>> -> memref<1x128xi32, #tpu.memory_space<vmem>>
    %dma_start3A_1291 = tpu.memref_squeeze %dma_start3A_1290 : memref<1x128xi32, #tpu.memory_space<vmem>> -> memref<128xi32, #tpu.memory_space<vmem>>
    %dma_start3A_1292 = arith.constant 0 : i32
    %dma_start3A_1293 = arith.constant 0 : i32
    %dma_start3A_1294 = tpu.memref_slice %arg8[%dma_start3A_1292, %dma_start3A_1293] : memref<960x64xf32, #tpu.memory_space<hbm>> -> memref<960x64xf32, #tpu.memory_space<hbm>>
    tpu.enqueue_indirect_dma source(%dma_start3A_1294 : memref<960x64xf32, #tpu.memory_space<hbm>>) target(%dma_start3A_1288 : memref<128x64xf32, #tpu.memory_space<vmem>>) offsets(%dma_start3A_1291 : memref<128xi32, #tpu.memory_space<vmem>>) semaphore(%arg10 : memref<!tpu.dma_semaphore, #tpu.memory_space<semaphore_mem>>)
    %dma_start3A_1295 = arith.constant 8 : i32
    %dma_start3A_1296 = arith.constant 1024 : i32
    %dma_start3A_1297 = arith.constant 0 : i32
    %dma_start3A_1298 = tpu.memref_slice %arg7[%dma_start3A_1296, %dma_start3A_1297] : memref<1536x64xf32, #tpu.memory_space<vmem>> -> memref<128x64xf32, #tpu.memory_space<vmem>>
    %dma_start3A_1299 = arith.constant 0 : i32
    %dma_start3A_1300 = tpu.memref_slice %arg5[%dma_start3A_1295, %dma_start3A_1299] : memref<12x128xi32, #tpu.memory_space<vmem>> -> memref<1x128xi32, #tpu.memory_space<vmem>>
    %dma_start3A_1301 = tpu.memref_squeeze %dma_start3A_1300 : memref<1x128xi32, #tpu.memory_space<vmem>> -> memref<128xi32, #tpu.memory_space<vmem>>
    %dma_start3A_1302 = arith.constant 0 : i32
    %dma_start3A_1303 = arith.constant 0 : i32
    %dma_start3A_1304 = tpu.memref_slice %arg8[%dma_start3A_1302, %dma_start3A_1303] : memref<960x64xf32, #tpu.memory_space<hbm>> -> memref<960x64xf32, #tpu.memory_space<hbm>>
    tpu.enqueue_indirect_dma source(%dma_start3A_1304 : memref<960x64xf32, #tpu.memory_space<hbm>>) target(%dma_start3A_1298 : memref<128x64xf32, #tpu.memory_space<vmem>>) offsets(%dma_start3A_1301 : memref<128xi32, #tpu.memory_space<vmem>>) semaphore(%arg10 : memref<!tpu.dma_semaphore, #tpu.memory_space<semaphore_mem>>)
    %dma_start3A_1305 = arith.constant 9 : i32
    %dma_start3A_1306 = arith.constant 1152 : i32
    %dma_start3A_1307 = arith.constant 0 : i32
    %dma_start3A_1308 = tpu.memref_slice %arg7[%dma_start3A_1306, %dma_start3A_1307] : memref<1536x64xf32, #tpu.memory_space<vmem>> -> memref<128x64xf32, #tpu.memory_space<vmem>>
    %dma_start3A_1309 = arith.constant 0 : i32
    %dma_start3A_1310 = tpu.memref_slice %arg5[%dma_start3A_1305, %dma_start3A_1309] : memref<12x128xi32, #tpu.memory_space<vmem>> -> memref<1x128xi32, #tpu.memory_space<vmem>>
    %dma_start3A_1311 = tpu.memref_squeeze %dma_start3A_1310 : memref<1x128xi32, #tpu.memory_space<vmem>> -> memref<128xi32, #tpu.memory_space<vmem>>
    %dma_start3A_1312 = arith.constant 0 : i32
    %dma_start3A_1313 = arith.constant 0 : i32
    %dma_start3A_1314 = tpu.memref_slice %arg8[%dma_start3A_1312, %dma_start3A_1313] : memref<960x64xf32, #tpu.memory_space<hbm>> -> memref<960x64xf32, #tpu.memory_space<hbm>>
    tpu.enqueue_indirect_dma source(%dma_start3A_1314 : memref<960x64xf32, #tpu.memory_space<hbm>>) target(%dma_start3A_1308 : memref<128x64xf32, #tpu.memory_space<vmem>>) offsets(%dma_start3A_1311 : memref<128xi32, #tpu.memory_space<vmem>>) semaphore(%arg10 : memref<!tpu.dma_semaphore, #tpu.memory_space<semaphore_mem>>)
    %dma_start3A_1315 = arith.constant 10 : i32
    %dma_start3A_1316 = arith.constant 1280 : i32
    %dma_start3A_1317 = arith.constant 0 : i32
    %dma_start3A_1318 = tpu.memref_slice %arg7[%dma_start3A_1316, %dma_start3A_1317] : memref<1536x64xf32, #tpu.memory_space<vmem>> -> memref<128x64xf32, #tpu.memory_space<vmem>>
    %dma_start3A_1319 = arith.constant 0 : i32
    %dma_start3A_1320 = tpu.memref_slice %arg5[%dma_start3A_1315, %dma_start3A_1319] : memref<12x128xi32, #tpu.memory_space<vmem>> -> memref<1x128xi32, #tpu.memory_space<vmem>>
    %dma_start3A_1321 = tpu.memref_squeeze %dma_start3A_1320 : memref<1x128xi32, #tpu.memory_space<vmem>> -> memref<128xi32, #tpu.memory_space<vmem>>
    %dma_start3A_1322 = arith.constant 0 : i32
    %dma_start3A_1323 = arith.constant 0 : i32
    %dma_start3A_1324 = tpu.memref_slice %arg8[%dma_start3A_1322, %dma_start3A_1323] : memref<960x64xf32, #tpu.memory_space<hbm>> -> memref<960x64xf32, #tpu.memory_space<hbm>>
    tpu.enqueue_indirect_dma source(%dma_start3A_1324 : memref<960x64xf32, #tpu.memory_space<hbm>>) target(%dma_start3A_1318 : memref<128x64xf32, #tpu.memory_space<vmem>>) offsets(%dma_start3A_1321 : memref<128xi32, #tpu.memory_space<vmem>>) semaphore(%arg10 : memref<!tpu.dma_semaphore, #tpu.memory_space<semaphore_mem>>)
    %dma_start3A_1325 = arith.constant 11 : i32
    %dma_start3A_1326 = arith.constant 1408 : i32
    %dma_start3A_1327 = arith.constant 0 : i32
    %dma_start3A_1328 = tpu.memref_slice %arg7[%dma_start3A_1326, %dma_start3A_1327] : memref<1536x64xf32, #tpu.memory_space<vmem>> -> memref<128x64xf32, #tpu.memory_space<vmem>>
    %dma_start3A_1329 = arith.constant 0 : i32
    %dma_start3A_1330 = tpu.memref_slice %arg5[%dma_start3A_1325, %dma_start3A_1329] : memref<12x128xi32, #tpu.memory_space<vmem>> -> memref<1x128xi32, #tpu.memory_space<vmem>>
    %dma_start3A_1331 = tpu.memref_squeeze %dma_start3A_1330 : memref<1x128xi32, #tpu.memory_space<vmem>> -> memref<128xi32, #tpu.memory_space<vmem>>
    %dma_start3A_1332 = arith.constant 0 : i32
    %dma_start3A_1333 = arith.constant 0 : i32
    %dma_start3A_1334 = tpu.memref_slice %arg8[%dma_start3A_1332, %dma_start3A_1333] : memref<960x64xf32, #tpu.memory_space<hbm>> -> memref<960x64xf32, #tpu.memory_space<hbm>>
    tpu.enqueue_indirect_dma source(%dma_start3A_1334 : memref<960x64xf32, #tpu.memory_space<hbm>>) target(%dma_start3A_1328 : memref<128x64xf32, #tpu.memory_space<vmem>>) offsets(%dma_start3A_1331 : memref<128xi32, #tpu.memory_space<vmem>>) semaphore(%arg10 : memref<!tpu.dma_semaphore, #tpu.memory_space<semaphore_mem>>)
    %dma_wait3A = arith.constant 0 : i32
    %dma_wait3A_1335 = arith.constant 0 : i32
    %dma_wait3A_1336 = arith.constant 0 : i32
    %dma_wait3A_1337 = tpu.memref_slice %arg7[%dma_wait3A_1335, %dma_wait3A_1336] : memref<1536x64xf32, #tpu.memory_space<vmem>> -> memref<128x64xf32, #tpu.memory_space<vmem>>
    %dma_wait3A_1338 = arith.constant 0 : i32
    %dma_wait3A_1339 = tpu.memref_slice %arg5[%dma_wait3A, %dma_wait3A_1338] : memref<12x128xi32, #tpu.memory_space<vmem>> -> memref<1x128xi32, #tpu.memory_space<vmem>>
    %dma_wait3A_1340 = tpu.memref_squeeze %dma_wait3A_1339 : memref<1x128xi32, #tpu.memory_space<vmem>> -> memref<128xi32, #tpu.memory_space<vmem>>
    %dma_wait3A_1341 = arith.constant 0 : i32
    %dma_wait3A_1342 = arith.constant 0 : i32
    %dma_wait3A_1343 = tpu.memref_slice %arg8[%dma_wait3A_1341, %dma_wait3A_1342] : memref<960x64xf32, #tpu.memory_space<hbm>> -> memref<960x64xf32, #tpu.memory_space<hbm>>
    tpu.wait_indirect_dma semaphore(%arg9 : memref<!tpu.dma_semaphore, #tpu.memory_space<semaphore_mem>>) src(%dma_wait3A_1343 : memref<960x64xf32, #tpu.memory_space<hbm>>) dst(%dma_wait3A_1337 : memref<128x64xf32, #tpu.memory_space<vmem>>)
    %dma_wait3A_1344 = arith.constant 1 : i32
    %dma_wait3A_1345 = arith.constant 128 : i32
    %dma_wait3A_1346 = arith.constant 0 : i32
    %dma_wait3A_1347 = tpu.memref_slice %arg7[%dma_wait3A_1345, %dma_wait3A_1346] : memref<1536x64xf32, #tpu.memory_space<vmem>> -> memref<128x64xf32, #tpu.memory_space<vmem>>
    %dma_wait3A_1348 = arith.constant 0 : i32
    %dma_wait3A_1349 = tpu.memref_slice %arg5[%dma_wait3A_1344, %dma_wait3A_1348] : memref<12x128xi32, #tpu.memory_space<vmem>> -> memref<1x128xi32, #tpu.memory_space<vmem>>
    %dma_wait3A_1350 = tpu.memref_squeeze %dma_wait3A_1349 : memref<1x128xi32, #tpu.memory_space<vmem>> -> memref<128xi32, #tpu.memory_space<vmem>>
    %dma_wait3A_1351 = arith.constant 0 : i32
    %dma_wait3A_1352 = arith.constant 0 : i32
    %dma_wait3A_1353 = tpu.memref_slice %arg8[%dma_wait3A_1351, %dma_wait3A_1352] : memref<960x64xf32, #tpu.memory_space<hbm>> -> memref<960x64xf32, #tpu.memory_space<hbm>>
    tpu.wait_indirect_dma semaphore(%arg9 : memref<!tpu.dma_semaphore, #tpu.memory_space<semaphore_mem>>) src(%dma_wait3A_1353 : memref<960x64xf32, #tpu.memory_space<hbm>>) dst(%dma_wait3A_1347 : memref<128x64xf32, #tpu.memory_space<vmem>>)
    %dma_wait3A_1354 = arith.constant 2 : i32
    %dma_wait3A_1355 = arith.constant 256 : i32
    %dma_wait3A_1356 = arith.constant 0 : i32
    %dma_wait3A_1357 = tpu.memref_slice %arg7[%dma_wait3A_1355, %dma_wait3A_1356] : memref<1536x64xf32, #tpu.memory_space<vmem>> -> memref<128x64xf32, #tpu.memory_space<vmem>>
    %dma_wait3A_1358 = arith.constant 0 : i32
    %dma_wait3A_1359 = tpu.memref_slice %arg5[%dma_wait3A_1354, %dma_wait3A_1358] : memref<12x128xi32, #tpu.memory_space<vmem>> -> memref<1x128xi32, #tpu.memory_space<vmem>>
    %dma_wait3A_1360 = tpu.memref_squeeze %dma_wait3A_1359 : memref<1x128xi32, #tpu.memory_space<vmem>> -> memref<128xi32, #tpu.memory_space<vmem>>
    %dma_wait3A_1361 = arith.constant 0 : i32
    %dma_wait3A_1362 = arith.constant 0 : i32
    %dma_wait3A_1363 = tpu.memref_slice %arg8[%dma_wait3A_1361, %dma_wait3A_1362] : memref<960x64xf32, #tpu.memory_space<hbm>> -> memref<960x64xf32, #tpu.memory_space<hbm>>
    tpu.wait_indirect_dma semaphore(%arg9 : memref<!tpu.dma_semaphore, #tpu.memory_space<semaphore_mem>>) src(%dma_wait3A_1363 : memref<960x64xf32, #tpu.memory_space<hbm>>) dst(%dma_wait3A_1357 : memref<128x64xf32, #tpu.memory_space<vmem>>)
    %dma_wait3A_1364 = arith.constant 3 : i32
    %dma_wait3A_1365 = arith.constant 384 : i32
    %dma_wait3A_1366 = arith.constant 0 : i32
    %dma_wait3A_1367 = tpu.memref_slice %arg7[%dma_wait3A_1365, %dma_wait3A_1366] : memref<1536x64xf32, #tpu.memory_space<vmem>> -> memref<128x64xf32, #tpu.memory_space<vmem>>
    %dma_wait3A_1368 = arith.constant 0 : i32
    %dma_wait3A_1369 = tpu.memref_slice %arg5[%dma_wait3A_1364, %dma_wait3A_1368] : memref<12x128xi32, #tpu.memory_space<vmem>> -> memref<1x128xi32, #tpu.memory_space<vmem>>
    %dma_wait3A_1370 = tpu.memref_squeeze %dma_wait3A_1369 : memref<1x128xi32, #tpu.memory_space<vmem>> -> memref<128xi32, #tpu.memory_space<vmem>>
    %dma_wait3A_1371 = arith.constant 0 : i32
    %dma_wait3A_1372 = arith.constant 0 : i32
    %dma_wait3A_1373 = tpu.memref_slice %arg8[%dma_wait3A_1371, %dma_wait3A_1372] : memref<960x64xf32, #tpu.memory_space<hbm>> -> memref<960x64xf32, #tpu.memory_space<hbm>>
    tpu.wait_indirect_dma semaphore(%arg9 : memref<!tpu.dma_semaphore, #tpu.memory_space<semaphore_mem>>) src(%dma_wait3A_1373 : memref<960x64xf32, #tpu.memory_space<hbm>>) dst(%dma_wait3A_1367 : memref<128x64xf32, #tpu.memory_space<vmem>>)
    %dma_wait3A_1374 = arith.constant 4 : i32
    %dma_wait3A_1375 = arith.constant 512 : i32
    %dma_wait3A_1376 = arith.constant 0 : i32
    %dma_wait3A_1377 = tpu.memref_slice %arg7[%dma_wait3A_1375, %dma_wait3A_1376] : memref<1536x64xf32, #tpu.memory_space<vmem>> -> memref<128x64xf32, #tpu.memory_space<vmem>>
    %dma_wait3A_1378 = arith.constant 0 : i32
    %dma_wait3A_1379 = tpu.memref_slice %arg5[%dma_wait3A_1374, %dma_wait3A_1378] : memref<12x128xi32, #tpu.memory_space<vmem>> -> memref<1x128xi32, #tpu.memory_space<vmem>>
    %dma_wait3A_1380 = tpu.memref_squeeze %dma_wait3A_1379 : memref<1x128xi32, #tpu.memory_space<vmem>> -> memref<128xi32, #tpu.memory_space<vmem>>
    %dma_wait3A_1381 = arith.constant 0 : i32
    %dma_wait3A_1382 = arith.constant 0 : i32
    %dma_wait3A_1383 = tpu.memref_slice %arg8[%dma_wait3A_1381, %dma_wait3A_1382] : memref<960x64xf32, #tpu.memory_space<hbm>> -> memref<960x64xf32, #tpu.memory_space<hbm>>
    tpu.wait_indirect_dma semaphore(%arg9 : memref<!tpu.dma_semaphore, #tpu.memory_space<semaphore_mem>>) src(%dma_wait3A_1383 : memref<960x64xf32, #tpu.memory_space<hbm>>) dst(%dma_wait3A_1377 : memref<128x64xf32, #tpu.memory_space<vmem>>)
    %dma_wait3A_1384 = arith.constant 5 : i32
    %dma_wait3A_1385 = arith.constant 640 : i32
    %dma_wait3A_1386 = arith.constant 0 : i32
    %dma_wait3A_1387 = tpu.memref_slice %arg7[%dma_wait3A_1385, %dma_wait3A_1386] : memref<1536x64xf32, #tpu.memory_space<vmem>> -> memref<128x64xf32, #tpu.memory_space<vmem>>
    %dma_wait3A_1388 = arith.constant 0 : i32
    %dma_wait3A_1389 = tpu.memref_slice %arg5[%dma_wait3A_1384, %dma_wait3A_1388] : memref<12x128xi32, #tpu.memory_space<vmem>> -> memref<1x128xi32, #tpu.memory_space<vmem>>
    %dma_wait3A_1390 = tpu.memref_squeeze %dma_wait3A_1389 : memref<1x128xi32, #tpu.memory_space<vmem>> -> memref<128xi32, #tpu.memory_space<vmem>>
    %dma_wait3A_1391 = arith.constant 0 : i32
    %dma_wait3A_1392 = arith.constant 0 : i32
    %dma_wait3A_1393 = tpu.memref_slice %arg8[%dma_wait3A_1391, %dma_wait3A_1392] : memref<960x64xf32, #tpu.memory_space<hbm>> -> memref<960x64xf32, #tpu.memory_space<hbm>>
    tpu.wait_indirect_dma semaphore(%arg9 : memref<!tpu.dma_semaphore, #tpu.memory_space<semaphore_mem>>) src(%dma_wait3A_1393 : memref<960x64xf32, #tpu.memory_space<hbm>>) dst(%dma_wait3A_1387 : memref<128x64xf32, #tpu.memory_space<vmem>>)
    %dma_start3A_1394 = arith.constant 0 : i32
    %dma_start3A_1395 = arith.constant 0 : i32
    %dma_start3A_1396 = tpu.memref_slice %arg7[%dma_start3A_1394, %dma_start3A_1395] : memref<1536x64xf32, #tpu.memory_space<vmem>> -> memref<768x64xf32, #tpu.memory_space<vmem>>
    %dma_start3A_1397 = arith.constant 0 : i32
    %dma_start3A_1398 = tpu.memref_slice %arg4[%mul3A_2, %dma_start3A_1397] : memref<49152x64xf32, #tpu.memory_space<hbm>> -> memref<768x64xf32, #tpu.memory_space<hbm>>
    %dma_start3A_1399 = arith.constant 0 : i32
    %dma_start3A_1400 = tpu.memref_slice %arg4[%mul3A_2, %dma_start3A_1399] : memref<49152x64xf32, #tpu.memory_space<hbm>> -> memref<768x64xf32, #tpu.memory_space<hbm>>
    %dma_start3A_1401 = arith.constant 0 : i32
    %dma_start3A_1402 = arith.constant 0 : i32
    %dma_start3A_1403 = tpu.memref_slice %arg7[%dma_start3A_1401, %dma_start3A_1402] : memref<1536x64xf32, #tpu.memory_space<vmem>> -> memref<768x64xf32, #tpu.memory_space<vmem>>
    tpu.enqueue_dma source(%dma_start3A_1403 : memref<768x64xf32, #tpu.memory_space<vmem>>) target(%dma_start3A_1400 : memref<768x64xf32, #tpu.memory_space<hbm>>) target_semaphore(%arg11 : memref<!tpu.dma_semaphore, #tpu.memory_space<semaphore_mem>>)
    %dma_wait3A_1404 = arith.constant 6 : i32
    %dma_wait3A_1405 = arith.constant 768 : i32
    %dma_wait3A_1406 = arith.constant 0 : i32
    %dma_wait3A_1407 = tpu.memref_slice %arg7[%dma_wait3A_1405, %dma_wait3A_1406] : memref<1536x64xf32, #tpu.memory_space<vmem>> -> memref<128x64xf32, #tpu.memory_space<vmem>>
    %dma_wait3A_1408 = arith.constant 0 : i32
    %dma_wait3A_1409 = tpu.memref_slice %arg5[%dma_wait3A_1404, %dma_wait3A_1408] : memref<12x128xi32, #tpu.memory_space<vmem>> -> memref<1x128xi32, #tpu.memory_space<vmem>>
    %dma_wait3A_1410 = tpu.memref_squeeze %dma_wait3A_1409 : memref<1x128xi32, #tpu.memory_space<vmem>> -> memref<128xi32, #tpu.memory_space<vmem>>
    %dma_wait3A_1411 = arith.constant 0 : i32
    %dma_wait3A_1412 = arith.constant 0 : i32
    %dma_wait3A_1413 = tpu.memref_slice %arg8[%dma_wait3A_1411, %dma_wait3A_1412] : memref<960x64xf32, #tpu.memory_space<hbm>> -> memref<960x64xf32, #tpu.memory_space<hbm>>
    tpu.wait_indirect_dma semaphore(%arg10 : memref<!tpu.dma_semaphore, #tpu.memory_space<semaphore_mem>>) src(%dma_wait3A_1413 : memref<960x64xf32, #tpu.memory_space<hbm>>) dst(%dma_wait3A_1407 : memref<128x64xf32, #tpu.memory_space<vmem>>)
    %dma_wait3A_1414 = arith.constant 7 : i32
    %dma_wait3A_1415 = arith.constant 896 : i32
    %dma_wait3A_1416 = arith.constant 0 : i32
    %dma_wait3A_1417 = tpu.memref_slice %arg7[%dma_wait3A_1415, %dma_wait3A_1416] : memref<1536x64xf32, #tpu.memory_space<vmem>> -> memref<128x64xf32, #tpu.memory_space<vmem>>
    %dma_wait3A_1418 = arith.constant 0 : i32
    %dma_wait3A_1419 = tpu.memref_slice %arg5[%dma_wait3A_1414, %dma_wait3A_1418] : memref<12x128xi32, #tpu.memory_space<vmem>> -> memref<1x128xi32, #tpu.memory_space<vmem>>
    %dma_wait3A_1420 = tpu.memref_squeeze %dma_wait3A_1419 : memref<1x128xi32, #tpu.memory_space<vmem>> -> memref<128xi32, #tpu.memory_space<vmem>>
    %dma_wait3A_1421 = arith.constant 0 : i32
    %dma_wait3A_1422 = arith.constant 0 : i32
    %dma_wait3A_1423 = tpu.memref_slice %arg8[%dma_wait3A_1421, %dma_wait3A_1422] : memref<960x64xf32, #tpu.memory_space<hbm>> -> memref<960x64xf32, #tpu.memory_space<hbm>>
    tpu.wait_indirect_dma semaphore(%arg10 : memref<!tpu.dma_semaphore, #tpu.memory_space<semaphore_mem>>) src(%dma_wait3A_1423 : memref<960x64xf32, #tpu.memory_space<hbm>>) dst(%dma_wait3A_1417 : memref<128x64xf32, #tpu.memory_space<vmem>>)
    %dma_wait3A_1424 = arith.constant 8 : i32
    %dma_wait3A_1425 = arith.constant 1024 : i32
    %dma_wait3A_1426 = arith.constant 0 : i32
    %dma_wait3A_1427 = tpu.memref_slice %arg7[%dma_wait3A_1425, %dma_wait3A_1426] : memref<1536x64xf32, #tpu.memory_space<vmem>> -> memref<128x64xf32, #tpu.memory_space<vmem>>
    %dma_wait3A_1428 = arith.constant 0 : i32
    %dma_wait3A_1429 = tpu.memref_slice %arg5[%dma_wait3A_1424, %dma_wait3A_1428] : memref<12x128xi32, #tpu.memory_space<vmem>> -> memref<1x128xi32, #tpu.memory_space<vmem>>
    %dma_wait3A_1430 = tpu.memref_squeeze %dma_wait3A_1429 : memref<1x128xi32, #tpu.memory_space<vmem>> -> memref<128xi32, #tpu.memory_space<vmem>>
    %dma_wait3A_1431 = arith.constant 0 : i32
    %dma_wait3A_1432 = arith.constant 0 : i32
    %dma_wait3A_1433 = tpu.memref_slice %arg8[%dma_wait3A_1431, %dma_wait3A_1432] : memref<960x64xf32, #tpu.memory_space<hbm>> -> memref<960x64xf32, #tpu.memory_space<hbm>>
    tpu.wait_indirect_dma semaphore(%arg10 : memref<!tpu.dma_semaphore, #tpu.memory_space<semaphore_mem>>) src(%dma_wait3A_1433 : memref<960x64xf32, #tpu.memory_space<hbm>>) dst(%dma_wait3A_1427 : memref<128x64xf32, #tpu.memory_space<vmem>>)
    %dma_wait3A_1434 = arith.constant 9 : i32
    %dma_wait3A_1435 = arith.constant 1152 : i32
    %dma_wait3A_1436 = arith.constant 0 : i32
    %dma_wait3A_1437 = tpu.memref_slice %arg7[%dma_wait3A_1435, %dma_wait3A_1436] : memref<1536x64xf32, #tpu.memory_space<vmem>> -> memref<128x64xf32, #tpu.memory_space<vmem>>
    %dma_wait3A_1438 = arith.constant 0 : i32
    %dma_wait3A_1439 = tpu.memref_slice %arg5[%dma_wait3A_1434, %dma_wait3A_1438] : memref<12x128xi32, #tpu.memory_space<vmem>> -> memref<1x128xi32, #tpu.memory_space<vmem>>
    %dma_wait3A_1440 = tpu.memref_squeeze %dma_wait3A_1439 : memref<1x128xi32, #tpu.memory_space<vmem>> -> memref<128xi32, #tpu.memory_space<vmem>>
    %dma_wait3A_1441 = arith.constant 0 : i32
    %dma_wait3A_1442 = arith.constant 0 : i32
    %dma_wait3A_1443 = tpu.memref_slice %arg8[%dma_wait3A_1441, %dma_wait3A_1442] : memref<960x64xf32, #tpu.memory_space<hbm>> -> memref<960x64xf32, #tpu.memory_space<hbm>>
    tpu.wait_indirect_dma semaphore(%arg10 : memref<!tpu.dma_semaphore, #tpu.memory_space<semaphore_mem>>) src(%dma_wait3A_1443 : memref<960x64xf32, #tpu.memory_space<hbm>>) dst(%dma_wait3A_1437 : memref<128x64xf32, #tpu.memory_space<vmem>>)
    %dma_wait3A_1444 = arith.constant 10 : i32
    %dma_wait3A_1445 = arith.constant 1280 : i32
    %dma_wait3A_1446 = arith.constant 0 : i32
    %dma_wait3A_1447 = tpu.memref_slice %arg7[%dma_wait3A_1445, %dma_wait3A_1446] : memref<1536x64xf32, #tpu.memory_space<vmem>> -> memref<128x64xf32, #tpu.memory_space<vmem>>
    %dma_wait3A_1448 = arith.constant 0 : i32
    %dma_wait3A_1449 = tpu.memref_slice %arg5[%dma_wait3A_1444, %dma_wait3A_1448] : memref<12x128xi32, #tpu.memory_space<vmem>> -> memref<1x128xi32, #tpu.memory_space<vmem>>
    %dma_wait3A_1450 = tpu.memref_squeeze %dma_wait3A_1449 : memref<1x128xi32, #tpu.memory_space<vmem>> -> memref<128xi32, #tpu.memory_space<vmem>>
    %dma_wait3A_1451 = arith.constant 0 : i32
    %dma_wait3A_1452 = arith.constant 0 : i32
    %dma_wait3A_1453 = tpu.memref_slice %arg8[%dma_wait3A_1451, %dma_wait3A_1452] : memref<960x64xf32, #tpu.memory_space<hbm>> -> memref<960x64xf32, #tpu.memory_space<hbm>>
    tpu.wait_indirect_dma semaphore(%arg10 : memref<!tpu.dma_semaphore, #tpu.memory_space<semaphore_mem>>) src(%dma_wait3A_1453 : memref<960x64xf32, #tpu.memory_space<hbm>>) dst(%dma_wait3A_1447 : memref<128x64xf32, #tpu.memory_space<vmem>>)
    %dma_wait3A_1454 = arith.constant 11 : i32
    %dma_wait3A_1455 = arith.constant 1408 : i32
    %dma_wait3A_1456 = arith.constant 0 : i32
    %dma_wait3A_1457 = tpu.memref_slice %arg7[%dma_wait3A_1455, %dma_wait3A_1456] : memref<1536x64xf32, #tpu.memory_space<vmem>> -> memref<128x64xf32, #tpu.memory_space<vmem>>
    %dma_wait3A_1458 = arith.constant 0 : i32
    %dma_wait3A_1459 = tpu.memref_slice %arg5[%dma_wait3A_1454, %dma_wait3A_1458] : memref<12x128xi32, #tpu.memory_space<vmem>> -> memref<1x128xi32, #tpu.memory_space<vmem>>
    %dma_wait3A_1460 = tpu.memref_squeeze %dma_wait3A_1459 : memref<1x128xi32, #tpu.memory_space<vmem>> -> memref<128xi32, #tpu.memory_space<vmem>>
    %dma_wait3A_1461 = arith.constant 0 : i32
    %dma_wait3A_1462 = arith.constant 0 : i32
    %dma_wait3A_1463 = tpu.memref_slice %arg8[%dma_wait3A_1461, %dma_wait3A_1462] : memref<960x64xf32, #tpu.memory_space<hbm>> -> memref<960x64xf32, #tpu.memory_space<hbm>>
    tpu.wait_indirect_dma semaphore(%arg10 : memref<!tpu.dma_semaphore, #tpu.memory_space<semaphore_mem>>) src(%dma_wait3A_1463 : memref<960x64xf32, #tpu.memory_space<hbm>>) dst(%dma_wait3A_1457 : memref<128x64xf32, #tpu.memory_space<vmem>>)
    %add3A_1464 = arith.constant 768 : i32
    %add3A_1465 = arith.addi %mul3A_2, %add3A_1464 : i32
    %dma_start3A_1466 = arith.constant 768 : i32
    %dma_start3A_1467 = arith.constant 0 : i32
    %dma_start3A_1468 = tpu.memref_slice %arg7[%dma_start3A_1466, %dma_start3A_1467] : memref<1536x64xf32, #tpu.memory_space<vmem>> -> memref<768x64xf32, #tpu.memory_space<vmem>>
    %dma_start3A_1469 = arith.constant 0 : i32
    %dma_start3A_1470 = tpu.memref_slice %arg4[%add3A_1465, %dma_start3A_1469] : memref<49152x64xf32, #tpu.memory_space<hbm>> -> memref<768x64xf32, #tpu.memory_space<hbm>>
    %dma_start3A_1471 = arith.constant 0 : i32
    %dma_start3A_1472 = tpu.memref_slice %arg4[%add3A_1465, %dma_start3A_1471] : memref<49152x64xf32, #tpu.memory_space<hbm>> -> memref<768x64xf32, #tpu.memory_space<hbm>>
    %dma_start3A_1473 = arith.constant 768 : i32
    %dma_start3A_1474 = arith.constant 0 : i32
    %dma_start3A_1475 = tpu.memref_slice %arg7[%dma_start3A_1473, %dma_start3A_1474] : memref<1536x64xf32, #tpu.memory_space<vmem>> -> memref<768x64xf32, #tpu.memory_space<vmem>>
    tpu.enqueue_dma source(%dma_start3A_1475 : memref<768x64xf32, #tpu.memory_space<vmem>>) target(%dma_start3A_1472 : memref<768x64xf32, #tpu.memory_space<hbm>>) target_semaphore(%arg11 : memref<!tpu.dma_semaphore, #tpu.memory_space<semaphore_mem>>)
    %dma_wait3A_1476 = arith.constant 0 : i32
    %dma_wait3A_1477 = arith.constant 0 : i32
    %dma_wait3A_1478 = tpu.memref_slice %arg7[%dma_wait3A_1476, %dma_wait3A_1477] : memref<1536x64xf32, #tpu.memory_space<vmem>> -> memref<768x64xf32, #tpu.memory_space<vmem>>
    %dma_wait3A_1479 = arith.constant 0 : i32
    %dma_wait3A_1480 = tpu.memref_slice %arg4[%mul3A_2, %dma_wait3A_1479] : memref<49152x64xf32, #tpu.memory_space<hbm>> -> memref<768x64xf32, #tpu.memory_space<hbm>>
    %dma_wait3A_1481 = arith.constant 0 : i32
    %dma_wait3A_1482 = tpu.memref_slice %arg4[%mul3A_2, %dma_wait3A_1481] : memref<49152x64xf32, #tpu.memory_space<hbm>> -> memref<768x64xf32, #tpu.memory_space<hbm>>
    %dma_wait3A_1483 = arith.constant 0 : i32
    %dma_wait3A_1484 = arith.constant 0 : i32
    %dma_wait3A_1485 = tpu.memref_slice %arg7[%dma_wait3A_1483, %dma_wait3A_1484] : memref<1536x64xf32, #tpu.memory_space<vmem>> -> memref<768x64xf32, #tpu.memory_space<vmem>>
    tpu.wait_dma2 semaphore(%arg11 : memref<!tpu.dma_semaphore, #tpu.memory_space<semaphore_mem>>) src(%dma_wait3A_1485 : memref<768x64xf32, #tpu.memory_space<vmem>>) dst(%dma_wait3A_1482 : memref<768x64xf32, #tpu.memory_space<hbm>>)
    %dma_wait3A_1486 = arith.constant 768 : i32
    %dma_wait3A_1487 = arith.constant 0 : i32
    %dma_wait3A_1488 = tpu.memref_slice %arg7[%dma_wait3A_1486, %dma_wait3A_1487] : memref<1536x64xf32, #tpu.memory_space<vmem>> -> memref<768x64xf32, #tpu.memory_space<vmem>>
    %dma_wait3A_1489 = arith.constant 0 : i32
    %dma_wait3A_1490 = tpu.memref_slice %arg4[%add3A_1465, %dma_wait3A_1489] : memref<49152x64xf32, #tpu.memory_space<hbm>> -> memref<768x64xf32, #tpu.memory_space<hbm>>
    %dma_wait3A_1491 = arith.constant 0 : i32
    %dma_wait3A_1492 = tpu.memref_slice %arg4[%add3A_1465, %dma_wait3A_1491] : memref<49152x64xf32, #tpu.memory_space<hbm>> -> memref<768x64xf32, #tpu.memory_space<hbm>>
    %dma_wait3A_1493 = arith.constant 768 : i32
    %dma_wait3A_1494 = arith.constant 0 : i32
    %dma_wait3A_1495 = tpu.memref_slice %arg7[%dma_wait3A_1493, %dma_wait3A_1494] : memref<1536x64xf32, #tpu.memory_space<vmem>> -> memref<768x64xf32, #tpu.memory_space<vmem>>
    tpu.wait_dma2 semaphore(%arg11 : memref<!tpu.dma_semaphore, #tpu.memory_space<semaphore_mem>>) src(%dma_wait3A_1495 : memref<768x64xf32, #tpu.memory_space<vmem>>) dst(%dma_wait3A_1492 : memref<768x64xf32, #tpu.memory_space<hbm>>)
    return
  }
}

</mosaic_0001>

<sc_bundles>
// kernel: kernel.3.cloned.1.call-start
scs
__scs_entry_jumppad:
0x0: {  	(pc) =	sbr.rel $0x88, $3  }
0x1: {  	(tag) =	ssettag $0x0;
	lr =	simm.s32 $0x1  }
0x2: {  	[smem:$0x3F9D] =	sst lr;
	_ =	strace $0xD0000000  }
0x3: {  	_ = 	snop  }
0x4: {  	_ = 	snop  }
0x5: {  	_ = 	snop  }
0x6: {  	_ = 	snop  }
0x7: {  	_ = 	snop  }
__scs_overlays_trampoline_lowered:
0x8: {  	[smem:$0x3FAC] =	sst s0  }
0x9: {  	[smem:$0x3FAD] =	sst s1  }
0xa: {  	[smem:$0x3FAE] =	sst s2  }
0xb: {  	[smem:$0x3FAF] =	sst s3  }
0xc: {  	[smem:$0x3FB0] =	sst s4  }
0xd: {  	[smem:$0x3FB1] =	sst s5  }
0xe: {  	[smem:$0x3FB2] =	sst s6  }
0xf: {  	[smem:$0x3FB3] =	sst s7  }
0x10: {  	[smem:$0x3FB4] =	sst s8  }
0x11: {  	[smem:$0x3FB5] =	sst s9;
	s0 =	simm.s32 @!p0 $0x0  }
0x12: {  	s1 =	sld [smem:$0x3F9B];
	s0 =	simm.s32 @p0 $0x1  }
0x13: {  	[smem:$0x3FB6] =	sst s0;
	s0 =	simm.s32 @!p1 $0x0  }
0x14: {  	s2 =	sld [smem:$0x3F9A];
	s0 =	simm.s32 @p1 $0x1  }
0x15: {  	[smem:$0x3FB7] =	sst s0;
	s0 =	simm.s32 @!p2 $0x0  }
0x16: {  	s3 =	sld [smem:$0x3FDB];
	s0 =	simm.s32 @p2 $0x1  }
0x17: {  	s4 =	simm.s32 $0x1BF5;
	[smem:$0x3FB9] =	sst s0  }
0x18: {  	s0 =	sld [smem:$0x3F9C];
	_ =	swait.ge [sflag:s4], $0x0  }
0x19: {  	s7 =	sld [smem:$0x3F9D]  }
0x1a: {  	s8 =	sadd.s32 $0xFFFFE003, lr  }
0x1b: {  	s9 =	sadd.s32 $0xFFFFFEF7, lr;
	s5 =	simm.s32 $0xFFFFFFFF;
	p2 =	slt.u32 s8, $0xFFFFF086  }
0x1c: {  	p1 =	slt.u32 s9, $0xF7A;
	s5 =	simm.s32 @!p2 $0x0  }
0x1d: {  	s5 =	simm.s32 @p1 $0x1;
	p0 =	seq.s32 s7, s2  }
0x1e: {  	s7 =	smul.u32 @!p0 $0xF7A, s2;
	p2 =	seq.s32 @!p0 s5, $0x0  }
0x1f: {  	s9 =	smul.u32 $0xF7A, s1;
	s8 =	simm.s32 @!p0 $0x1BF5;
	p2 =	por !p2, p0  }
0x20: {  	[sflag:s8] =	ssyncset.s32 @!p0 $0xFFFFF086;
	s6 =	sadd.s32 @!p0 s3, s7;
	s7 =	simm.s32 @!p0 $0x108  }
0x21: {  	s3 =	sadd.s32 s3, s9;
	s6 =	sadd.s32 @!p0 $0x88, s6;
	s7 =	simm.s32 @p2 $0x1082  }
0x22: {  	[simem:s7], [sflag:s8] =	dma.local @!p0 [hbm:s6], $0xF7A  }
0x23: {  	s9 =	sor.u32 $0xD0000000, s2;
	s6 =	simm.s32 $0x108;
	_ =	swait.ge @!p0 [sflag:s8], $0x0  }
0x24: {  	s3 =	sadd.s32 $0x88, s3;
	s6 =	simm.s32 @!p1 $0x1082;
	[sflag:s4] =	ssyncset.s32 $0xFFFFF086  }
0x25: {  	[simem:s6], [sflag:s4] =	dma.local [hbm:s3], $0xF7A  }
0x26: {  	[smem:$0x3F9D] =	sst s1;
	(tag) =	ssettag s2;
	_ =	strace s9  }
0x27: {  	s1 =	sld [smem:$0x3FAD]  }
0x28: {  	s2 =	sld [smem:$0x3FAE]  }
0x29: {  	s4 =	sld [smem:$0x3FB0]  }
0x2a: {  	p0 =	seq.s32 s5, $0x0;
	s5 =	sld [smem:$0x3FB1]  }
0x2b: {  	s6 =	sld [smem:$0x3FB2]  }
0x2c: {  	s7 =	sld [smem:$0x3FB3]  }
0x2d: {  	s3 =	simm.s32 $0x108;
	s8 =	sld [smem:$0x3FB4]  }
0x2e: {  	s3 =	simm.s32 @!p0 $0x1082;
	s9 =	sld [smem:$0x3FB5]  }
0x2f: {  	lr =	sadd.s32 s0, s3;
	s0 =	sld [smem:$0x3FAC]  }
0x30: {  	s3 =	sld [smem:$0x3FAF]  }
0x31: {  	[smem:$0x3FB8] =	sst s10  }
0x32: {  	s10 =	sld [smem:$0x3FB6];
	_ =	sdelay $0x3  }
0x33: {  	p0 =	seq.s32 s10, $0x1;
	s10 =	sld [smem:$0x3FB8];
	_ =	sdelay $0x3  }
0x34: {  	[smem:$0x3FB8] =	sst s10  }
0x35: {  	s10 =	sld [smem:$0x3FB7];
	_ =	sdelay $0x3  }
0x36: {  	p1 =	seq.s32 s10, $0x1;
	s10 =	sld [smem:$0x3FB8];
	_ =	sdelay $0x3  }
0x37: {  	[smem:$0x3FB8] =	sst s10  }
0x38: {  	s10 =	sld [smem:$0x3FB9]  }
0x39: {  	_ = 	snop;
	(pc) =	sbr.ind lr, $3  }
0x3a: {  	_ = 	snop  }
0x3b: {  	_ = 	snop  }
0x3c: {  	p2 =	seq.s32 s10, $0x1;
	s10 =	sld [smem:$0x3FB8]  }
0x3d: {  	_ =	shalt  }
0x3e: {  	_ =	shalt  }
0x3f: {  	_ =	shalt  }
0x40: {  	_ =	shalt  }
0x41: {  	_ =	shalt  }
0x42: {  	_ =	shalt  }
0x43: {  	_ =	shalt  }
0x44: {  	_ =	shalt  }
0x45: {  	_ =	shalt  }
0x46: {  	_ =	shalt  }
0x47: {  	_ =	shalt  }
0x48: {  	_ =	shalt  }
0x49: {  	_ =	shalt  }
0x4a: {  	_ =	shalt  }
0x4b: {  	_ =	shalt  }
0x4c: {  	_ =	shalt  }
0x4d: {  	_ =	shalt  }
0x4e: {  	_ =	shalt  }
0x4f: {  	_ =	shalt  }
0x50: {  	_ =	shalt  }
0x51: {  	_ =	shalt  }
0x52: {  	_ =	shalt  }
0x53: {  	_ =	shalt  }
0x54: {  	_ =	shalt  }
0x55: {  	_ =	shalt  }
0x56: {  	_ =	shalt  }
0x57: {  	_ =	shalt  }
0x58: {  	_ =	shalt  }
0x59: {  	_ =	shalt  }
0x5a: {  	_ =	shalt  }
0x5b: {  	_ =	shalt  }
0x5c: {  	_ =	shalt  }
0x5d: {  	_ =	shalt  }
0x5e: {  	_ =	shalt  }
0x5f: {  	_ =	shalt  }
0x60: {  	_ =	shalt  }
0x61: {  	_ =	shalt  }
0x62: {  	_ =	shalt  }
0x63: {  	_ =	shalt  }
0x64: {  	_ =	shalt  }
0x65: {  	_ =	shalt  }
0x66: {  	_ =	shalt  }
0x67: {  	_ =	shalt  }
0x68: {  	_ =	shalt  }
0x69: {  	_ =	shalt  }
0x6a: {  	_ =	shalt  }
0x6b: {  	_ =	shalt  }
0x6c: {  	_ =	shalt  }
0x6d: {  	_ =	shalt  }
0x6e: {  	_ =	shalt  }
0x6f: {  	_ =	shalt  }
0x70: {  	_ =	shalt  }
0x71: {  	_ =	shalt  }
0x72: {  	_ =	shalt  }
0x73: {  	_ =	shalt  }
0x74: {  	_ =	shalt  }
0x75: {  	_ =	shalt  }
0x76: {  	_ =	shalt  }
0x77: {  	_ =	shalt  }
0x78: {  	_ =	shalt  }
0x79: {  	_ =	shalt  }
0x7a: {  	_ =	shalt  }
0x7b: {  	_ =	shalt  }
0x7c: {  	_ =	shalt  }
0x7d: {  	_ =	shalt  }
0x7e: {  	_ =	shalt  }
0x7f: {  	_ =	shalt  }
0x80: {  	_ =	shalt  }
0x81: {  	_ =	shalt  }
0x82: {  	_ =	shalt  }
0x83: {  	_ =	shalt  }
0x84: {  	_ =	shalt  }
0x85: {  	_ =	shalt  }
0x86: {  	_ =	shalt  }
0x87: {  	_ =	shalt  }
.Lfunc_end0:
.L_simem_size_0:
called_computation_lowered:
.L_overlay_start_0:
0x88: {  	s2 =	sld [smem:$0x3FD9]  }
0x89: {  	s3 =	sld [smem:$0x3FFE];
	_ =	sdelay $0x1  }
0x8a: {  	s1 =	srdreg.scid  }
0x8b: {  	s0 =	sand.u32 $0x1, s1  }
0x8c: {  	s18 =	sshll.u32 s0, $0xA;
	s2 =	sadd.s32 s3, s2  }
0x8d: {  	s3 =	sadd.s32 s2, s18  }
0x8e: {  	[smem:$0x3FC4] =	sst s3  }
0x8f: {  	_ = 	snop  }
0x90: {  	s3 =	sld [smem:$0x3FD0];
	(tm) =	ssettm $0x1  }
0x91: {  	s4 =	sld [smem:$0x3FFB];
	_ =	sdelay $0x3  }
0x92: {  	_ =	strace s4  }
0x93: {  	s4 =	sld [smem:$0x3FFC];
	_ =	sdelay $0x3  }
0x94: {  	_ =	strace s4  }
0x95: {  	s4 =	sld [smem:$0x3FFD];
	_ =	sdelay $0x3  }
0x96: {  	_ =	strace s4  }
0x97: {  	_ =	strace $0x8FFFFFFF  }
0x98: {  	s19 =	sld [smem:$0x3FDB];
	_ =	sdelay $0x1  }
0x99: {  	s5 =	simm.s32 $_scs_section_size  }
0x9a: {  	s6 =	simm.s32 $_size__tile_overlayer_lowered;
	s7 =	simm.s32 $_tile_overlayer_lowered  }
0x9b: {  	s22 =	simm.s32 $0x1BFF;
	s21 =	sshll.u32 s7, $0x1;
	s4 =	sadd.s32 s5, s19  }
0x9c: {  	s8 =	simm.s32 $0x0;
	s20 =	sshll.u32 s6, $0x1;
	s6 =	sadd.s32 s21, s4  }
0x9d: {  	[timem:s8], [sflag:s22] =	dma.local [hbm:s6], s20  }
0x9e: {  	_ =	swait.ge [sflag:s22], s20  }
0x9f: {  	s5 =	ssub.s32 $0x0, s20;
	[sflag:s22] =	ssyncset.done $0x0  }
0xa0: {  	[sflag:s22] =	ssyncadd.s32 s5;
	_ =	sdelay $0x1  }
0xa1: {  	s23 =	simm.s32 $0x1B8B  }
0xa2: {  	_ =	swait.ge [sflag:s23], $0x1  }
0xa3: {  	[sflag:s23] =	ssyncset.done $0x0  }
0xa4: {  	s25 =	simm.s32 $0x1B8E;
	s24 =	sld [smem:$0x3FFE];
	[sflag:s23] =	ssyncadd.s32 $0xFFFFFFFF  }
0xa5: {  	s26 =	simm.s32 $execute0_lowered;
	[smem:$0x3FD2] =	sst s25  }
0xa6: {  	s6 =	sshll.u32 s26, $0x1;
	_ =	strace $0x80000046;
	[dreg:$0x1] =	wrdreg $0xFFFFFFFF  }
0xa7: {  	s28 =	simm.s32 $_size_execute0_lowered;
	s4 =	sadd.s32 s4, s6;
	[dreg:$0x0] =	wrdreg $0x0  }
0xa8: {  	s6 =	sshll.u32 s28, $0x1;
	[dreg:$0x2] =	wrdreg s4  }
0xa9: {  	[dreg:$0x3] =	wrdreg s6  }
0xaa: {  	[dreg:$0x4] =	wrdreg $0xC0  }
0xab: {  	_ =	task [dreg:s8], $0x5FFFF  }
0xac: {  	[dreg:$0x1] =	wrdreg $0xFFFFFFFF  }
0xad: {  	[dreg:$0x0] =	wrdreg $0x60  }
0xae: {  	[dreg:$0x2] =	wrdreg s24  }
0xaf: {  	s2 =	sadd.s32 $0x800, s2;
	[dreg:$0x3] =	wrdreg s3  }
0xb0: {  	[dreg:$0x4] =	wrdreg s2  }
0xb1: {  	[dreg:$0x5] =	wrdreg $0x9  }
0xb2: {  	_ =	task.clear_ibuf [dreg:s8], $0x6FFFF;
	_ =	strace $0x90000046  }
0xb3: {  	s29 =	simm.s32 $0x9;
	_ =	strace $0x80000048  }
0xb4: {  	_ =	swait.ge [sflag:s29], $0x1  }
0xb5: {  	[sflag:s29] =	ssyncadd.s32 $0xFFFFFFFF  }
0xb6: {  	_ =	strace $0x90000048  }
0xb7: {  	_ =	sfence  }
0xb8: {  	s30 =	sld [smem:$0x0];
	_ =	sdelay $0x2  }
0xb9: {  	s31 =	sshll.u32 s1, $0xD;
	s1 =	sshrl.u32 s1, $0x2  }
0xba: {  	s3 =	sand.u32 $0x4000, s31;
	s1 =	sadd.s32 s1, s30  }
0xbb: {  	s0 =	sor.u32 s3, s0;
	s1 =	sshll.u32 s1, $0x11  }
0xbc: {  	s0 =	sor.u32 s1, s0  }
0xbd: {  	s0 =	sadd.s32 $0x8F2B, s0  }
0xbe: {  	[sflag:s0] =	ssyncadd.remote.s32 $0x1  }
0xbf: {  	_ =	sfence.sel $0xFFFF  }
0xc0: {  	[dreg:$0x0] =	wrdreg $0xFFFFFFFF;
	(pc) =	sbr.abs _section_cstart, $3  }
0xc1: {  	[dreg:$0x1] =	wrdreg $0xFFFFFFFF  }
0xc2: {  	_ =	task.clear_ibuf [dreg:s8], $0x2FFFF;
	_ =	strace $0x9FFFFFFF  }
0xc3: {  	(tm) =	ssettm $0x7FFFFFFF  }
tec
execute0_lowered:
.L_overlay_start_1:
0x0: {  	(tag) =	ssettag $0x1  }
0x1: {  	s1 =	rddreg [dreg:$0x0];
	s2 =	srdreg.scid  }
0x2: {  	s0 =	stileid.u32;
	s4 =	rddreg [dreg:$0x1];
	s26 =	simm.s32 $0x2D80  }
0x3: {  	s10 =	simm.s32 $0x4D80;
	s11 =	simm.s32 $0x180;
	s12 =	simm.s32 $0x6D80  }
0x4: {  	s13 =	simm.s32 $0x200;
	s14 =	simm.s32 $0x8D80;
	s15 =	simm.s32 $0x280  }
0x5: {  	s16 =	simm.s32 $0xAD80;
	s5 =	sand.u32 $0x1, s2;
	s3 =	sshll.u32 s0, $0x1  }
0x6: {  	s17 =	simm.s32 $0x300;
	s18 =	simm.s32 $0xCD80;
	s6 =	sor.u32 s5, s3  }
0x7: {  	s19 =	simm.s32 $0x380;
	s20 =	simm.s32 $0xED80;
	s7 =	smul.u32 $0xC0, s6  }
0x8: {  	s28 =	simm.s32 $0x580;
	s29 =	simm.s32 $0x16D80;
	s22 =	smul.u32 $0x18000, s6  }
0x9: {  	s31 =	simm.s32 $0x2;
	s2 =	rddreg [dreg:$0x2];
	s9 =	smul.u32 $0x3000, s6  }
0xa: {  	s3 =	simm.s32 $0x0;
	s21 =	ssub.s32 $0x2, s5;
	s23 =	smul.u32 $0xF0, s6  }
0xb: {  	v0 =	vimm.s32 $0x20920929;
	v1 =	vimm.s32 $0x9209200;
	[smem:$0x7FF] =	sst s3;
	s8 =	sshrl.u32 s21, $0x1;
	s30 =	smul.u32 $0x1E, s6  }
0xc: {  	v2 =	vimm.s32 $0x92092090;
	s6 =	simm.s32 $0x600;
	_ =	strace $0x80000047;
	[dreg:$0x9] =	wrdreg s26  }
0xd: {  	v3 =	vimm.s32 $0x9209202;
	v4 =	vimm.s32 $0x20920920;
	s26 =	simm.s32 $0x14D80;
	s7 =	sadd.s32 s7, s1;
	s1 =	sadd.s32 $0x400, s1  }
0xe: {  	v0 =	vunpack.c.l.s4.s8 v0;
	v2 =	vunpack.c.l.s4.s8 v2;
	v3 =	vunpack.c.l.s4.s8 v3;
	s5 =	sshrl.u32 s22, $0x3;
	s24 =	sadd.s32 s4, s9;
	s25 =	sadd.s32 s23, s2  }
0xf: {  	vm0 =	vcmask $0x2304;
	v1 =	vunpack.c.l.s4.s8 v1;
	v4 =	vunpack.c.l.s4.s8 v4;
	s9 =	simm.s32 $0x100;
	s22 =	simm.s32 $0x10D80;
	s23 =	simm.s32 $0x480  }
0x10: {  	v0 =	vunpack.c.0.s8.s32 v0;
	v2 =	vunpack.c.0.s8.s32 v2;
	v3 =	vunpack.c.0.s8.s32 v3;
	[dreg:$0x4] =	wrdreg s1;
	s7 =	sadd.s32 $0x600, s7;
	s1 =	ssub.s32 s21, s8  }
0x11: {  	vm1 =	vcmask $0x3F24;
	v1 =	vunpack.c.0.s8.s32 v1;
	v4 =	vunpack.c.0.s8.s32 v4;
	s4 =	sadd.s32 s4, s5;
	[dreg:$0x6] =	wrdreg s24;
	s5 =	simm.s32 $0x4  }
0x12: {  	v0 =	vnsel vm0, $0x0, v0;
	v3 =	vnsel vm0, $0x9, v3;
	v5 =	vnsel vm0, $0x2, v2;
	[dreg:$0x8] =	wrdreg s25;
	s8 =	simm.s32 $0xD80;
	s21 =	simm.s32 $0x400  }
0x13: {  	v0 =	vsel vm1, v1, v0;
	v1 =	vsel vm1, v4, v5;
	v2 =	vsel vm1, v2, v3;
	s24 =	simm.s32 $0x12D80;
	[dreg:$0x5] =	wrdreg s7;
	s4 =	sadd.s32 $0x1800, s4  }
0x14: {  	s25 =	simm.s32 $0x500;
	s7 =	simm.s32 $0x80;
	v0 =	vand.u32 $0xF, v0;
	v1 =	vand.u32 $0xF, v1;
	v2 =	vand.u32 $0xF, v2;
	[dreg:$0x7] =	wrdreg s4  }
0x15: {  	s4 =	smax.u32 s1, $0x1;
	v0 =	vadd.s32 s30, v0;
	v1 =	vadd.s32 s30, v1;
	v2 =	vadd.s32 s30, v2;
	s30 =	simm.s32 $0x1;
	s1 =	simm.s32 $0x3  }
.LBB2_1:
0x16: {  	s0 =	rddreg [dreg:$0x5]  }
0x17: {  	[tilespmem:s3], [sflag:$0x4] =	stream.linear.gather [hbm4b:s0+s3], $0x600, $0x38;
	[tilespmem:$0x18D80] =	vst v63  }
0x18: {  	_ =	swait.ge [sflag:s5], $0x600  }
0x19: {  	[sflag:s5] =	ssyncset.done $0x0  }
0x1a: {  	s0 =	rddreg [dreg:$0x4];
	[sflag:s5] =	ssyncadd.s32 $0xFFFFFA00  }
0x1b: {  	[tilespmem:s6], [sflag:$0x4] =	stream.linear.gather [hbm4b:s0+s3], $0x780, $0x38;
	[tilespmem:$0x18D80] =	vst v63  }
0x1c: {  	_ =	swait.ge [sflag:s5], $0x780  }
0x1d: {  	[sflag:s5] =	ssyncset.done $0x0  }
0x1e: {  	s0 =	rddreg [dreg:$0x8];
	[sflag:s5] =	ssyncadd.s32 $0xFFFFF880  }
0x1f: {  	[hbm4b:s0+s3] =	stream.linear.scatter [tilespmem:s6], [sflag:$0x4], $0x780, $0x38;
	[tilespmem:$0x18D80] =	vst v63  }
0x20: {  	_ =	swait.ge [sflag:s5], $0x780  }
0x21: {  	[sflag:s5] =	ssyncset.done $0x0  }
0x22: {  	[sflag:s5] =	ssyncadd.s32 $0xFFFFF880  }
0x23: {  	v3 =	vld [tilespmem:$0x0]  }
0x24: {  	v4 =	vld [tilespmem:$0x10]  }
0x25: {  	v5 =	vld [tilespmem:$0x20]  }
0x26: {  	v6 =	vld [tilespmem:$0x30]  }
0x27: {  	v7 =	vld [tilespmem:$0x40]  }
0x28: {  	v8 =	vld [tilespmem:$0x50];
	v3 =	vadd.s32 v0, v3  }
0x29: {  	v26 =	vld [tilespmem:$0x60];
	[tilespmem:$0x0] =	vst v3;
	v3 =	vadd.s32 v1, v4  }
0x2a: {  	v27 =	vld [tilespmem:$0x70];
	[tilespmem:$0x10] =	vst v3;
	v3 =	vadd.s32 v2, v5  }
0x2b: {  	v28 =	vld [tilespmem:$0x80];
	[tilespmem:$0x20] =	vst v3;
	v3 =	vadd.s32 v0, v6  }
0x2c: {  	v29 =	vld [tilespmem:$0x90];
	[tilespmem:$0x30] =	vst v3;
	v3 =	vadd.s32 v1, v7  }
0x2d: {  	v30 =	vld [tilespmem:$0xA0];
	[tilespmem:$0x40] =	vst v3;
	v3 =	vadd.s32 v2, v8  }
0x2e: {  	v31 =	vld [tilespmem:$0xB0];
	[tilespmem:$0x50] =	vst v3;
	v3 =	vadd.s32 v0, v26  }
0x2f: {  	v32 =	vld [tilespmem:$0xC0];
	[tilespmem:$0x60] =	vst v3;
	v3 =	vadd.s32 v1, v27  }
0x30: {  	v33 =	vld [tilespmem:$0xD0];
	[tilespmem:$0x70] =	vst v3;
	v3 =	vadd.s32 v2, v28  }
0x31: {  	v34 =	vld [tilespmem:$0xE0];
	[tilespmem:$0x80] =	vst v3;
	v3 =	vadd.s32 v0, v29  }
0x32: {  	v35 =	vld [tilespmem:$0xF0];
	[tilespmem:$0x90] =	vst v3;
	v3 =	vadd.s32 v1, v30  }
0x33: {  	v36 =	vld [tilespmem:$0x100];
	[tilespmem:$0xA0] =	vst v3;
	v3 =	vadd.s32 v2, v31  }
0x34: {  	v37 =	vld [tilespmem:$0x110];
	[tilespmem:$0xB0] =	vst v3;
	v3 =	vadd.s32 v0, v32  }
0x35: {  	v38 =	vld [tilespmem:$0x120];
	[tilespmem:$0xC0] =	vst v3;
	v3 =	vadd.s32 v1, v33  }
0x36: {  	v39 =	vld [tilespmem:$0x130];
	[tilespmem:$0xD0] =	vst v3;
	v3 =	vadd.s32 v2, v34  }
0x37: {  	v40 =	vld [tilespmem:$0x140];
	[tilespmem:$0xE0] =	vst v3;
	v3 =	vadd.s32 v0, v35  }
0x38: {  	v41 =	vld [tilespmem:$0x150];
	[tilespmem:$0xF0] =	vst v3;
	v3 =	vadd.s32 v1, v36  }
0x39: {  	v42 =	vld [tilespmem:$0x160];
	[tilespmem:$0x100] =	vst v3;
	v3 =	vadd.s32 v2, v37  }
0x3a: {  	v43 =	vld [tilespmem:$0x170];
	[tilespmem:$0x110] =	vst v3;
	v3 =	vadd.s32 v0, v38  }
0x3b: {  	v44 =	vld [tilespmem:$0x180];
	[tilespmem:$0x120] =	vst v3;
	v3 =	vadd.s32 v1, v39  }
0x3c: {  	v45 =	vld [tilespmem:$0x190];
	[tilespmem:$0x130] =	vst v3;
	v3 =	vadd.s32 v2, v40  }
0x3d: {  	v46 =	vld [tilespmem:$0x1A0];
	[tilespmem:$0x140] =	vst v3;
	v3 =	vadd.s32 v0, v41  }
0x3e: {  	v47 =	vld [tilespmem:$0x1B0];
	[tilespmem:$0x150] =	vst v3;
	v3 =	vadd.s32 v1, v42  }
0x3f: {  	v48 =	vld [tilespmem:$0x1C0];
	[tilespmem:$0x160] =	vst v3;
	v3 =	vadd.s32 v2, v43  }
0x40: {  	v49 =	vld [tilespmem:$0x1D0];
	[tilespmem:$0x170] =	vst v3;
	v3 =	vadd.s32 v0, v44  }
0x41: {  	v50 =	vld [tilespmem:$0x1E0];
	[tilespmem:$0x180] =	vst v3;
	v3 =	vadd.s32 v1, v45  }
0x42: {  	v51 =	vld [tilespmem:$0x1F0];
	[tilespmem:$0x190] =	vst v3;
	v3 =	vadd.s32 v2, v46  }
0x43: {  	v52 =	vld [tilespmem:$0x200];
	[tilespmem:$0x1A0] =	vst v3;
	v3 =	vadd.s32 v0, v47  }
0x44: {  	v53 =	vld [tilespmem:$0x210];
	[tilespmem:$0x1B0] =	vst v3;
	v3 =	vadd.s32 v1, v48  }
0x45: {  	v54 =	vld [tilespmem:$0x220];
	[tilespmem:$0x1C0] =	vst v3;
	v3 =	vadd.s32 v2, v49  }
0x46: {  	v55 =	vld [tilespmem:$0x230];
	[tilespmem:$0x1D0] =	vst v3;
	v3 =	vadd.s32 v0, v50  }
0x47: {  	v56 =	vld [tilespmem:$0x240];
	[tilespmem:$0x1E0] =	vst v3;
	v3 =	vadd.s32 v1, v51  }
0x48: {  	v57 =	vld [tilespmem:$0x250];
	[tilespmem:$0x1F0] =	vst v3;
	v3 =	vadd.s32 v2, v52  }
0x49: {  	v58 =	vld [tilespmem:$0x260];
	[tilespmem:$0x200] =	vst v3;
	v3 =	vadd.s32 v0, v53  }
0x4a: {  	v59 =	vld [tilespmem:$0x270];
	[tilespmem:$0x210] =	vst v3;
	v3 =	vadd.s32 v1, v54  }
0x4b: {  	v60 =	vld [tilespmem:$0x280];
	[tilespmem:$0x220] =	vst v3;
	v3 =	vadd.s32 v2, v55  }
0x4c: {  	v61 =	vld [tilespmem:$0x290];
	[tilespmem:$0x230] =	vst v3;
	v3 =	vadd.s32 v0, v56  }
0x4d: {  	v62 =	vld [tilespmem:$0x2A0];
	[tilespmem:$0x240] =	vst v3;
	v3 =	vadd.s32 v1, v57  }
0x4e: {  	v63 =	vld [tilespmem:$0x2B0];
	[tilespmem:$0x250] =	vst v3;
	v3 =	vadd.s32 v2, v58  }
0x4f: {  	v12 =	vld [tilespmem:$0x2C0];
	[tilespmem:$0x260] =	vst v3;
	v3 =	vadd.s32 v0, v59  }
0x50: {  	v13 =	vld [tilespmem:$0x2D0];
	[tilespmem:$0x270] =	vst v3;
	v3 =	vadd.s32 v1, v60  }
0x51: {  	v14 =	vld [tilespmem:$0x2E0];
	[tilespmem:$0x280] =	vst v3;
	v3 =	vadd.s32 v2, v61  }
0x52: {  	v15 =	vld [tilespmem:$0x2F0];
	[tilespmem:$0x290] =	vst v3;
	v3 =	vadd.s32 v0, v62  }
0x53: {  	v16 =	vld [tilespmem:$0x300];
	[tilespmem:$0x2A0] =	vst v3;
	v3 =	vadd.s32 v1, v63  }
0x54: {  	v17 =	vld [tilespmem:$0x310];
	[tilespmem:$0x2B0] =	vst v3;
	v3 =	vadd.s32 v2, v12  }
0x55: {  	v18 =	vld [tilespmem:$0x320];
	[tilespmem:$0x2C0] =	vst v3;
	v3 =	vadd.s32 v0, v13  }
0x56: {  	v19 =	vld [tilespmem:$0x330];
	[tilespmem:$0x2D0] =	vst v3;
	v3 =	vadd.s32 v1, v14  }
0x57: {  	v20 =	vld [tilespmem:$0x340];
	[tilespmem:$0x2E0] =	vst v3;
	v3 =	vadd.s32 v2, v15  }
0x58: {  	v21 =	vld [tilespmem:$0x350];
	[tilespmem:$0x2F0] =	vst v3;
	v3 =	vadd.s32 v0, v16  }
0x59: {  	v22 =	vld [tilespmem:$0x360];
	[tilespmem:$0x300] =	vst v3;
	v3 =	vadd.s32 v1, v17  }
0x5a: {  	v23 =	vld [tilespmem:$0x370];
	[tilespmem:$0x310] =	vst v3;
	v3 =	vadd.s32 v2, v18  }
0x5b: {  	v24 =	vld [tilespmem:$0x380];
	[tilespmem:$0x320] =	vst v3;
	v3 =	vadd.s32 v0, v19  }
0x5c: {  	v25 =	vld [tilespmem:$0x390];
	[tilespmem:$0x330] =	vst v3;
	v3 =	vadd.s32 v1, v20  }
0x5d: {  	v26 =	vld [tilespmem:$0x3A0];
	[tilespmem:$0x340] =	vst v3;
	v3 =	vadd.s32 v2, v21  }
0x5e: {  	v27 =	vld [tilespmem:$0x3B0];
	[tilespmem:$0x350] =	vst v3;
	v3 =	vadd.s32 v0, v22  }
0x5f: {  	v28 =	vld [tilespmem:$0x3C0];
	[tilespmem:$0x360] =	vst v3;
	v3 =	vadd.s32 v1, v23  }
0x60: {  	v29 =	vld [tilespmem:$0x3D0];
	[tilespmem:$0x370] =	vst v3;
	v3 =	vadd.s32 v2, v24  }
0x61: {  	v30 =	vld [tilespmem:$0x3E0];
	[tilespmem:$0x380] =	vst v3;
	v3 =	vadd.s32 v0, v25  }
0x62: {  	v31 =	vld [tilespmem:$0x3F0];
	[tilespmem:$0x390] =	vst v3;
	v3 =	vadd.s32 v1, v26  }
0x63: {  	v32 =	vld [tilespmem:$0x400];
	[tilespmem:$0x3A0] =	vst v3;
	v3 =	vadd.s32 v2, v27  }
0x64: {  	v33 =	vld [tilespmem:$0x410];
	[tilespmem:$0x3B0] =	vst v3;
	v3 =	vadd.s32 v0, v28  }
0x65: {  	v34 =	vld [tilespmem:$0x420];
	[tilespmem:$0x3C0] =	vst v3;
	v3 =	vadd.s32 v1, v29  }
0x66: {  	v35 =	vld [tilespmem:$0x430];
	[tilespmem:$0x3D0] =	vst v3;
	v3 =	vadd.s32 v2, v30  }
0x67: {  	v36 =	vld [tilespmem:$0x440];
	[tilespmem:$0x3E0] =	vst v3;
	v3 =	vadd.s32 v0, v31  }
0x68: {  	v37 =	vld [tilespmem:$0x450];
	[tilespmem:$0x3F0] =	vst v3;
	v3 =	vadd.s32 v1, v32  }
0x69: {  	v38 =	vld [tilespmem:$0x460];
	[tilespmem:$0x400] =	vst v3;
	v3 =	vadd.s32 v2, v33  }
0x6a: {  	v39 =	vld [tilespmem:$0x470];
	[tilespmem:$0x410] =	vst v3;
	v3 =	vadd.s32 v0, v34  }
0x6b: {  	v40 =	vld [tilespmem:$0x480];
	[tilespmem:$0x420] =	vst v3;
	v3 =	vadd.s32 v1, v35  }
0x6c: {  	v41 =	vld [tilespmem:$0x490];
	[tilespmem:$0x430] =	vst v3;
	v3 =	vadd.s32 v2, v36  }
0x6d: {  	v42 =	vld [tilespmem:$0x4A0];
	[tilespmem:$0x440] =	vst v3;
	v3 =	vadd.s32 v0, v37  }
0x6e: {  	v43 =	vld [tilespmem:$0x4B0];
	[tilespmem:$0x450] =	vst v3;
	v3 =	vadd.s32 v1, v38  }
0x6f: {  	v44 =	vld [tilespmem:$0x4C0];
	[tilespmem:$0x460] =	vst v3;
	v3 =	vadd.s32 v2, v39  }
0x70: {  	v45 =	vld [tilespmem:$0x4D0];
	[tilespmem:$0x470] =	vst v3;
	v3 =	vadd.s32 v0, v40  }
0x71: {  	v46 =	vld [tilespmem:$0x4E0];
	[tilespmem:$0x480] =	vst v3;
	v3 =	vadd.s32 v1, v41  }
0x72: {  	v47 =	vld [tilespmem:$0x4F0];
	[tilespmem:$0x490] =	vst v3;
	v3 =	vadd.s32 v2, v42  }
0x73: {  	v48 =	vld [tilespmem:$0x500];
	[tilespmem:$0x4A0] =	vst v3;
	v3 =	vadd.s32 v0, v43  }
0x74: {  	v49 =	vld [tilespmem:$0x510];
	[tilespmem:$0x4B0] =	vst v3;
	v3 =	vadd.s32 v1, v44  }
0x75: {  	v50 =	vld [tilespmem:$0x520];
	[tilespmem:$0x4C0] =	vst v3;
	v3 =	vadd.s32 v2, v45  }
0x76: {  	v51 =	vld [tilespmem:$0x530];
	[tilespmem:$0x4D0] =	vst v3;
	v3 =	vadd.s32 v0, v46  }
0x77: {  	v52 =	vld [tilespmem:$0x540];
	[tilespmem:$0x4E0] =	vst v3;
	v3 =	vadd.s32 v1, v47  }
0x78: {  	v53 =	vld [tilespmem:$0x550];
	[tilespmem:$0x4F0] =	vst v3;
	v3 =	vadd.s32 v2, v48  }
0x79: {  	v54 =	vld [tilespmem:$0x560];
	[tilespmem:$0x500] =	vst v3;
	v3 =	vadd.s32 v0, v49  }
0x7a: {  	v55 =	vld [tilespmem:$0x570];
	[tilespmem:$0x510] =	vst v3;
	v3 =	vadd.s32 v1, v50  }
0x7b: {  	v56 =	vld [tilespmem:$0x580];
	[tilespmem:$0x520] =	vst v3;
	v3 =	vadd.s32 v2, v51  }
0x7c: {  	v57 =	vld [tilespmem:$0x590];
	[tilespmem:$0x530] =	vst v3;
	v3 =	vadd.s32 v0, v52  }
0x7d: {  	v58 =	vld [tilespmem:$0x5A0];
	[tilespmem:$0x540] =	vst v3;
	v3 =	vadd.s32 v1, v53  }
0x7e: {  	v59 =	vld [tilespmem:$0x5B0];
	[tilespmem:$0x550] =	vst v3;
	v3 =	vadd.s32 v2, v54  }
0x7f: {  	v60 =	vld [tilespmem:$0x5C0];
	[tilespmem:$0x560] =	vst v3;
	v3 =	vadd.s32 v0, v55  }
0x80: {  	v61 =	vld [tilespmem:$0x5D0];
	[tilespmem:$0x570] =	vst v3;
	v3 =	vadd.s32 v1, v56  }
0x81: {  	v62 =	vld [tilespmem:$0x5E0];
	[tilespmem:$0x580] =	vst v3;
	v3 =	vadd.s32 v2, v57  }
0x82: {  	v63 =	vld [tilespmem:$0x5F0];
	[tilespmem:$0x590] =	vst v3;
	v3 =	vadd.s32 v0, v58  }
0x83: {  	[tilespmem:$0x5A0] =	vst v3;
	v3 =	vadd.s32 v1, v59  }
0x84: {  	[tilespmem:$0x5B0] =	vst v3;
	v3 =	vadd.s32 v2, v60  }
0x85: {  	[tilespmem:$0x5C0] =	vst v3;
	v3 =	vadd.s32 v0, v61  }
0x86: {  	[tilespmem:$0x5D0] =	vst v3;
	v3 =	vadd.s32 v1, v62  }
0x87: {  	[tilespmem:$0x5E0] =	vst v3;
	v3 =	vadd.s32 v2, v63  }
0x88: {  	[tilespmem:$0x5F0] =	vst v3  }
0x89: {  	[tilespmem:s8], [sflag:$0x1] =	stream.indirect.gather [hbm4b:s2+s7], $0x40, s3, s7, $0xb8;
	[tilespmem:$0x18D80] =	vst v63  }
0x8a: {  	s0 =	rddreg [dreg:$0x9]  }
0x8b: {  	[tilespmem:s0], [sflag:$0x1] =	stream.indirect.gather [hbm4b:s2+s7], $0x40, s7, s7, $0xb8;
	[tilespmem:$0x18D80] =	vst v63  }
0x8c: {  	_ = 	snop  }
0x8d: {  	[tilespmem:s10], [sflag:$0x1] =	stream.indirect.gather [hbm4b:s2+s7], $0x40, s9, s7, $0xb8;
	[tilespmem:$0x18D80] =	vst v63  }
0x8e: {  	_ = 	snop  }
0x8f: {  	[tilespmem:s12], [sflag:$0x1] =	stream.indirect.gather [hbm4b:s2+s7], $0x40, s11, s7, $0xb8;
	[tilespmem:$0x18D80] =	vst v63  }
0x90: {  	_ = 	snop  }
0x91: {  	[tilespmem:s14], [sflag:$0x1] =	stream.indirect.gather [hbm4b:s2+s7], $0x40, s13, s7, $0xb8;
	[tilespmem:$0x18D80] =	vst v63  }
0x92: {  	_ = 	snop  }
0x93: {  	[tilespmem:s16], [sflag:$0x1] =	stream.indirect.gather [hbm4b:s2+s7], $0x40, s15, s7, $0xb8;
	[tilespmem:$0x18D80] =	vst v63  }
0x94: {  	_ = 	snop  }
0x95: {  	[tilespmem:s18], [sflag:$0x2] =	stream.indirect.gather [hbm4b:s2+s7], $0x40, s17, s7, $0xb8;
	[tilespmem:$0x18D80] =	vst v63  }
0x96: {  	_ = 	snop  }
0x97: {  	[tilespmem:s20], [sflag:$0x2] =	stream.indirect.gather [hbm4b:s2+s7], $0x40, s19, s7, $0xb8;
	[tilespmem:$0x18D80] =	vst v63  }
0x98: {  	_ = 	snop  }
0x99: {  	[tilespmem:s22], [sflag:$0x2] =	stream.indirect.gather [hbm4b:s2+s7], $0x40, s21, s7, $0xb8;
	[tilespmem:$0x18D80] =	vst v63  }
0x9a: {  	_ = 	snop  }
0x9b: {  	[tilespmem:s24], [sflag:$0x2] =	stream.indirect.gather [hbm4b:s2+s7], $0x40, s23, s7, $0xb8;
	[tilespmem:$0x18D80] =	vst v63  }
0x9c: {  	_ = 	snop  }
0x9d: {  	[tilespmem:s26], [sflag:$0x2] =	stream.indirect.gather [hbm4b:s2+s7], $0x40, s25, s7, $0xb8;
	[tilespmem:$0x18D80] =	vst v63  }
0x9e: {  	_ = 	snop  }
0x9f: {  	[tilespmem:s29], [sflag:$0x2] =	stream.indirect.gather [hbm4b:s2+s7], $0x40, s28, s7, $0xb8;
	[tilespmem:$0x18D80] =	vst v63  }
0xa0: {  	_ =	swait.ge [sflag:s30], $0x2000  }
0xa1: {  	[sflag:s30] =	ssyncset.done $0x0  }
0xa2: {  	[sflag:s30] =	ssyncadd.s32 $0xFFFFE000  }
0xa3: {  	_ =	swait.ge [sflag:s30], $0x2000  }
0xa4: {  	[sflag:s30] =	ssyncset.done $0x0  }
0xa5: {  	[sflag:s30] =	ssyncadd.s32 $0xFFFFE000  }
0xa6: {  	_ =	swait.ge [sflag:s30], $0x2000  }
0xa7: {  	[sflag:s30] =	ssyncset.done $0x0  }
0xa8: {  	[sflag:s30] =	ssyncadd.s32 $0xFFFFE000  }
0xa9: {  	_ =	swait.ge [sflag:s30], $0x2000  }
0xaa: {  	[sflag:s30] =	ssyncset.done $0x0  }
0xab: {  	[sflag:s30] =	ssyncadd.s32 $0xFFFFE000  }
0xac: {  	_ =	swait.ge [sflag:s30], $0x2000  }
0xad: {  	[sflag:s30] =	ssyncset.done $0x0  }
0xae: {  	[sflag:s30] =	ssyncadd.s32 $0xFFFFE000  }
0xaf: {  	_ =	swait.ge [sflag:s30], $0x2000  }
0xb0: {  	[sflag:s30] =	ssyncset.done $0x0  }
0xb1: {  	s0 =	rddreg [dreg:$0x6];
	[sflag:s30] =	ssyncadd.s32 $0xFFFFE000  }
0xb2: {  	[hbm4b:s0+s3] =	stream.linear.scatter [tilespmem:s8], [sflag:$0x3], $0xC000, $0x38;
	[tilespmem:$0x18D80] =	vst v63  }
0xb3: {  	_ =	swait.ge [sflag:s31], $0x2000  }
0xb4: {  	[sflag:s31] =	ssyncset.done $0x0  }
0xb5: {  	[sflag:s31] =	ssyncadd.s32 $0xFFFFE000  }
0xb6: {  	_ =	swait.ge [sflag:s31], $0x2000  }
0xb7: {  	[sflag:s31] =	ssyncset.done $0x0  }
0xb8: {  	[sflag:s31] =	ssyncadd.s32 $0xFFFFE000  }
0xb9: {  	_ =	swait.ge [sflag:s31], $0x2000  }
0xba: {  	[sflag:s31] =	ssyncset.done $0x0  }
0xbb: {  	[sflag:s31] =	ssyncadd.s32 $0xFFFFE000  }
0xbc: {  	_ =	swait.ge [sflag:s31], $0x2000  }
0xbd: {  	[sflag:s31] =	ssyncset.done $0x0  }
0xbe: {  	[sflag:s31] =	ssyncadd.s32 $0xFFFFE000  }
0xbf: {  	_ =	swait.ge [sflag:s31], $0x2000  }
0xc0: {  	[sflag:s31] =	ssyncset.done $0x0  }
0xc1: {  	[sflag:s31] =	ssyncadd.s32 $0xFFFFE000  }
0xc2: {  	_ =	swait.ge [sflag:s31], $0x2000  }
0xc3: {  	[sflag:s31] =	ssyncset.done $0x0  }
0xc4: {  	s0 =	rddreg [dreg:$0x7];
	[sflag:s31] =	ssyncadd.s32 $0xFFFFE000  }
0xc5: {  	[hbm4b:s0+s3] =	stream.linear.scatter [tilespmem:s18], [sflag:$0x3], $0xC000, $0x38;
	[tilespmem:$0x18D80] =	vst v63  }
0xc6: {  	p0 =	sne.s32 s4, $0x1;
	_ =	swait.ge [sflag:s1], $0xC000  }
.Ltmp0:
0xc7: {  	[sflag:s1] =	ssyncset.done $0x0;
	(pc) =	sbr.rel @p0 .LBB2_1-.Ltmp0, $4  }
0xc8: {  	[sflag:s1] =	ssyncadd.s32 $0xFFFF4000  }
0xc9: {  	_ =	swait.ge [sflag:s1], $0xC000  }
0xca: {  	[sflag:s1] =	ssyncset.done $0x0  }
0xcb: {  	s4 =	sadd.s32 $0xFFFFFFFF, s4;
	[sflag:s1] =	ssyncadd.s32 $0xFFFF4000  }
0xcc: {  	_ =	sfence.sel $0x180000  }
0xcd: {  	[bflag:$0x0] =	sbarrier.arrive $0xFFFF  }
0xce: {  	_ =	strace $0x90000047  }
0xcf: {  	s0 =	stileid.u32;
	[bflag:$0x2] =	sbarrier.arrive $0xFFFF  }
0xd0: {  	p0 =	sne.s32 s0, $0x0;
	s0 =	rddreg [dreg:$0x3]  }
0xd1: {  	s0 =	sadd.s32 @!p0 $0x100000, s0  }
0xd2: {  	[sflag:s0] =	ssyncadd.tile.s32 @!p0 $0x1;
	_ =	shalt  }
.Lfunc_end2:
_tile_overlayer_lowered:
.L_overlay_start_2:
0xd3: {  	(tag) =	ssettag $0x2  }
0xd4: {  	s0 =	rddreg [dreg:$0x0];
	s2 =	stileid.u32  }
0xd5: {  	s1 =	rddreg [dreg:$0x1];
	p0 =	sne.s32 s2, $0x0  }
0xd6: {  	s3 =	rddreg [dreg:$0x2];
	[bflag:$0x3] =	sbarrier.arrive $0xFFFF;
	s2 =	simm.s32 @!p0 $0x1C04  }
0xd7: {  	[timem:s3], [sflag:s2] =	dma.local @!p0 [hbm:s0], s1  }
0xd8: {  	s0 =	simm.s32 @!p0 $0x4  }
0xd9: {  	_ =	swait.ge @!p0 [sflag:s0], s1  }
0xda: {  	s1 =	ssub.s32 @!p0 $0x0, s1;
	[sflag:s0] =	ssyncset.done @!p0 $0x0  }
0xdb: {  	[sflag:s0] =	ssyncadd.s32 @!p0 s1  }
0xdc: {  	[bflag:$0x3] =	sbarrier.arrive $0xFFFF  }
0xdd: {  	_ =	shalt  }

</sc_bundles>
